<compile_context>
chip_gen: v7x
topology: tpu7x:2x2x1
jax: 0.10.2.dev20260603
libtpu: 0.0.44.dev20260713+nightly
codegen_flags: <defaults>
</compile_context>

<pallas_src>
import functools

import jax
import jax.numpy as jnp
from jax import lax
from jax.experimental import pallas as pl
from jax.experimental.pallas import tpu as pltpu
from jax.experimental.pallas import tpu_sc as plsc

N_ATOMS = 4096
D_MODEL = 1024
HIDDEN = 1024
B_SYS = 128
N_EXPERTS = 4

TILE = 128
PN = N_ATOMS + N_EXPERTS * TILE
G = PN // TILE
L = 16
TE_N = ((PN // TILE) + L - 1) // L * L

D2 = D_MODEL // 2
NW = 32
BPW = PN // NW
CH = 48
NCH = BPW // CH

_MESH = plsc.VectorSubcoreMesh(core_axis_name="c", subcore_axis_name="s")



def _pack_kernel(x_ref, out_ref):
    a = jax.lax.bitcast_convert_type(x_ref[:, :D2], jnp.int32)
    b = jax.lax.bitcast_convert_type(x_ref[:, D2:], jnp.int32)
    lo = jax.lax.shift_right_logical(a + 0x8000, 16)
    hi = (b + 0x8000) & jnp.int32(-65536)
    out_ref[:, :] = lo | hi


def _pack(x):
    return pl.pallas_call(
        _pack_kernel,
        grid=(8,),
        in_specs=[pl.BlockSpec((N_ATOMS // 8, D_MODEL), lambda i: (i, 0))],
        out_specs=pl.BlockSpec((N_ATOMS // 8, D2), lambda i: (i, 0)),
        out_shape=jax.ShapeDtypeStruct((N_ATOMS, D2), jnp.int32),
    )(x)



def _route_body(batch_hbm, ds_hbm, src_hbm, bp_hbm, te_hbm,
                batch_v, ds_v, src_v, bp_v, te_v):
    cid = lax.axis_index("c")
    sid = lax.axis_index("s")

    @pl.when((cid == 0) & (sid == 0))
    def _():
        pltpu.sync_copy(batch_hbm, batch_v)
        pltpu.sync_copy(ds_hbm, ds_v)

        zero16 = jnp.zeros((L,), jnp.int32)
        neg16 = jnp.full((L,), -1, jnp.int32)

        def init_body(i, carry):
            src_v[pl.ds(i * L, L)] = zero16
            bp_v[pl.ds(i * L, L)] = neg16
            return carry

        lax.fori_loop(0, PN // L, init_body, 0)

        def count_body(i, carry):
            c0, c1, c2, c3 = carry
            b = batch_v[pl.ds(i * L, L)]
            e = plsc.load_gather(ds_v, [b])
            c0 = c0 + jnp.sum((e == 0).astype(jnp.int32))
            c1 = c1 + jnp.sum((e == 1).astype(jnp.int32))
            c2 = c2 + jnp.sum((e == 2).astype(jnp.int32))
            c3 = c3 + jnp.sum((e == 3).astype(jnp.int32))
            return c0, c1, c2, c3

        z = jnp.int32(0)
        c0, c1, c2, c3 = lax.fori_loop(0, N_ATOMS // L, count_body,
                                       (z, z, z, z))

        def _pad(c):
            return ((c + TILE - 1) // TILE) * TILE

        off1 = _pad(c0)
        off2 = off1 + _pad(c1)
        off3 = off2 + _pad(c2)

        gv = jnp.arange(L, dtype=jnp.int32) * TILE
        for half in range(TE_N // L):
            g = gv + half * L * TILE
            te = ((g >= off1).astype(jnp.int32)
                  + (g >= off2).astype(jnp.int32)
                  + (g >= off3).astype(jnp.int32))
            te_v[pl.ds(half * L, L)] = te

        lane = jnp.arange(L, dtype=jnp.int32)

        def place_body(i, carry):
            r0, r1, r2, r3 = carry
            b = batch_v[pl.ds(i * L, L)]
            e = plsc.load_gather(ds_v, [b])
            dst = jnp.zeros((L,), jnp.int32)
            runs = [r0, r1, r2, r3]
            new_runs = []
            for ex in range(N_EXPERTS):
                m = (e == ex)
                mi = m.astype(jnp.int32)
                pref = plsc.cumsum(mi) - 1
                dst = jnp.where(m, runs[ex] + pref, dst)
                new_runs.append(runs[ex] + jnp.sum(mi))
            atomid = i * L + lane
            plsc.store_scatter(src_v, [dst], atomid)
            plsc.store_scatter(bp_v, [dst], b)
            return tuple(new_runs)

        lax.fori_loop(0, N_ATOMS // L, place_body,
                      (jnp.int32(0), off1, off2, off3))

        pltpu.sync_copy(src_v, src_hbm)
        pltpu.sync_copy(bp_v, bp_hbm)
        pltpu.sync_copy(te_v, te_hbm)


_route = functools.partial(
    pl.kernel,
    out_type=[jax.ShapeDtypeStruct((PN,), jnp.int32),
              jax.ShapeDtypeStruct((PN,), jnp.int32),
              jax.ShapeDtypeStruct((TE_N,), jnp.int32)],
    mesh=_MESH,
    scratch_types=[pltpu.VMEM((N_ATOMS,), jnp.int32),
                   pltpu.VMEM((B_SYS,), jnp.int32),
                   pltpu.VMEM((PN,), jnp.int32),
                   pltpu.VMEM((PN,), jnp.int32),
                   pltpu.VMEM((TE_N,), jnp.int32)],
    compiler_params=pltpu.CompilerParams(needs_layout_passes=False),
)(_route_body)



NSPLIT = 3
SPLIT_TILES = tuple(G // NSPLIT for _ in range(NSPLIT))
SPLIT_ROWS = tuple(t * TILE for t in SPLIT_TILES)
SPLIT_ROW_BASE = tuple(sum(SPLIT_ROWS[:i]) for i in range(len(SPLIT_TILES)))
SPLIT_TILE_BASE = tuple(sum(SPLIT_TILES[:i]) for i in range(len(SPLIT_TILES)))
HPN = PN // NSPLIT
HBPW = HPN // NW
HNCH = HBPW // CH


def _make_gather_body(row_base):
    def _gather_body(x_hbm, src_hbm, xs_hbm, idx_v, rows_a, rows_b,
                     sem_a, sem_b):
        cid = lax.axis_index("c")
        sid = lax.axis_index("s")
        wid = sid * 2 + cid
        base = wid * HBPW
        pltpu.sync_copy(src_hbm.at[pl.ds(row_base + base, HBPW)], idx_v)

        bufs = (rows_a, rows_b)
        sems = (sem_a, sem_b)
        handles = []
        for j in range(HNCH):
            handles.append(pltpu.async_copy(
                x_hbm.at[idx_v.at[pl.ds(j * CH, CH)]],
                bufs[j % 2], sems[j % 2]))
            if j >= 1:
                handles[j - 1].wait()
                pltpu.sync_copy(bufs[(j - 1) % 2],
                                xs_hbm.at[pl.ds(base + (j - 1) * CH, CH), :])
        handles[HNCH - 1].wait()
        pltpu.sync_copy(bufs[(HNCH - 1) % 2],
                        xs_hbm.at[pl.ds(base + (HNCH - 1) * CH, CH), :])
    return _gather_body


def _make_gather(row_base):
    return functools.partial(
        pl.kernel,
        out_type=jax.ShapeDtypeStruct((HPN, D2), jnp.int32),
        mesh=_MESH,
        scratch_types=[pltpu.VMEM((HBPW,), jnp.int32),
                       pltpu.VMEM((CH, D2), jnp.int32),
                       pltpu.VMEM((CH, D2), jnp.int32),
                       pltpu.SemaphoreType.DMA,
                       pltpu.SemaphoreType.DMA],
    )(_make_gather_body(row_base))


_gather_h = tuple(_make_gather(h * HPN) for h in range(NSPLIT))



def _make_mlp_tile_kernel(tile_base):
  def _mlp_tile_kernel(tile_eid_ref, xs_ref, w1_ref, b1_ref, w2_ref, b2_ref,
                       bpad_ref, ds_ref, out_ref):
    i = pl.program_id(0) + tile_base

    @pl.when(pl.program_id(0) == 0)
    def _init():
        out_ref[:, :] = jnp.zeros_like(out_ref)

    w = xs_ref[:, :]
    xa = jax.lax.bitcast_convert_type(
        jax.lax.shift_left(w, 16), jnp.float32).astype(jnp.bfloat16)
    xb = jax.lax.bitcast_convert_type(
        w & jnp.int32(-65536), jnp.float32).astype(jnp.bfloat16)
    w1 = w1_ref[0].astype(jnp.bfloat16)
    h = (jnp.dot(xa, w1[:D2, :], preferred_element_type=jnp.float32)
         + jnp.dot(xb, w1[D2:, :], preferred_element_type=jnp.float32))
    h = h + b1_ref[0]
    h = jax.nn.gelu(h)
    w2 = w2_ref[0]
    e = jnp.sum(h * w2, axis=1, keepdims=True)
    eid = tile_eid_ref[i]
    e = e + b2_ref[eid, 0]

    bp = bpad_ref[:, :]
    sys_iota = jax.lax.broadcasted_iota(jnp.int32, (TILE, B_SYS), 1)
    A = (bp == sys_iota).astype(jnp.float32)
    contrib = jax.lax.dot_general(e, A, (((0,), (0,)), ((), ())),
                                  preferred_element_type=jnp.float32)
    ds = ds_ref[:, :]
    d_iota = jax.lax.broadcasted_iota(jnp.int32, (N_EXPERTS, B_SYS), 0)
    dmask = (ds == d_iota).astype(jnp.float32)
    out_ref[:, :] += dmask * contrib
  return _mlp_tile_kernel


def _routed_mlp_half(half, tile_eid, xs_h, W1, b1, W2r, b2, batch_pad, ds_row):
    tile_base = SPLIT_TILE_BASE[half]
    grid_spec = pltpu.PrefetchScalarGridSpec(
        num_scalar_prefetch=1,
        grid=(SPLIT_TILES[half],),
        in_specs=[
            pl.BlockSpec((TILE, D2), lambda i, s: (i, 0)),
            pl.BlockSpec((1, D_MODEL, HIDDEN),
                         lambda i, s: (s[i + tile_base], 0, 0)),
            pl.BlockSpec((1, 1, HIDDEN),
                         lambda i, s: (s[i + tile_base], 0, 0)),
            pl.BlockSpec((1, 1, HIDDEN),
                         lambda i, s: (s[i + tile_base], 0, 0)),
            pl.BlockSpec(memory_space=pltpu.SMEM),
            pl.BlockSpec((TILE, 1), lambda i, s: (i + tile_base * 1, 0)),
            pl.BlockSpec((1, B_SYS), lambda i, s: (0, 0)),
        ],
        out_specs=pl.BlockSpec((N_EXPERTS, B_SYS), lambda i, s: (0, 0)),
    )
    return pl.pallas_call(
        _make_mlp_tile_kernel(tile_base),
        grid_spec=grid_spec,
        out_shape=jax.ShapeDtypeStruct((N_EXPERTS, B_SYS), jnp.float32),
    )(tile_eid, xs_h, W1, b1, W2r, b2, batch_pad, ds_row)


def kernel(x, batch, dataset_ids, W1, b1, W2, b2):
    batch32 = batch.astype(jnp.int32)
    ds32 = dataset_ids.astype(jnp.int32)

    src, batch_pad, tile_eid = _route(batch32, ds32)
    bp2 = batch_pad.reshape(PN, 1)
    ds_row = ds32.reshape(1, B_SYS)
    b1r = b1.reshape(N_EXPERTS, 1, HIDDEN)
    W2r = jnp.transpose(W2, (0, 2, 1))

    xp = _pack(x)
    out = None
    for h in range(len(SPLIT_TILES)):
        xs_h = _gather_h[h](xp, src)
        part = _routed_mlp_half(h, tile_eid, xs_h, W1, b1r, W2r, b2,
                                bp2, ds_row)
        out = part if out is None else out + part
    return out

# --- scband reference (transcript-rebuilt; emitter-appended) ---
"""Pipeline reference for scband-dataset-specific-mo-ewrapper-31860067402064 (READ-ONLY COPY).

The authoritative reference and input builder live on the scoring server;
editing this copy changes nothing except your own understanding.
"""

import jax, jax.numpy as jnp
import numpy as np

N_ATOMS = 4096
D_MODEL = 1024
HIDDEN = 1024
B_SYS = 128
N_EXPERTS = 4  # number of unique dataset heads (omol, omat, oc20, odac)


def setup_inputs(seed: int = 0) -> dict:
    key = jax.random.key(seed)
    ks = jax.random.split(key, 8)
    x = jax.random.normal(ks[0], (N_ATOMS, D_MODEL), dtype=jnp.float32)
    batch = jnp.sort(jax.random.randint(ks[1], (N_ATOMS,), 0, B_SYS)).astype(jnp.int64)
    dataset_ids = jax.random.randint(ks[2], (B_SYS,), 0, N_EXPERTS).astype(jnp.int64)
    # MoLE expert weights (recursive_replace_all_linear turns each head Linear into
    # a mixture-of-linear-experts layer with one weight bank per dataset expert)
    W1 = jax.random.normal(ks[3], (N_EXPERTS, D_MODEL, HIDDEN), dtype=jnp.float32) * 0.02
    b1 = jnp.zeros((N_EXPERTS, HIDDEN), dtype=jnp.float32)
    W2 = jax.random.normal(ks[4], (N_EXPERTS, HIDDEN, 1), dtype=jnp.float32) * 0.02
    b2 = jnp.zeros((N_EXPERTS, 1), dtype=jnp.float32)
    return {"x": x, "batch": batch, "dataset_ids": dataset_ids,
            "W1": W1, "b1": b1, "W2": W2, "b2": b2}


def _mole_linear(h, coeff, W, b):
    # per-atom mixture of expert linears: y_n = sum_e coeff[n,e] * (h_n @ W_e + b_e)
    y = jnp.einsum('nd,edo->neo', h, W)
    y = jnp.einsum('ne,neo->no', coeff, y)
    y = y + coeff @ b
    return y


def reference(x, batch, dataset_ids, W1, b1, W2, b2):
    # mole_sizes: atoms per system (scatter-add bookkeeping from the wrapper)
    mole_sizes = jax.ops.segment_sum(jnp.ones((N_ATOMS,), dtype=jnp.int32), batch,
                                     num_segments=B_SYS)
    # expert_mixing_coefficients: one-hot per system, gathered to per-atom
    coeff_sys = jax.nn.one_hot(dataset_ids, N_EXPERTS, dtype=x.dtype)
    coeff = coeff_sys[batch]
    # head forward with MoLE linears
    h = jax.nn.gelu(_mole_linear(x, coeff, W1, b1))
    e_atom = _mole_linear(h, coeff, W2, b2)[:, 0]
    energy = jax.ops.segment_sum(e_atom, batch, num_segments=B_SYS)
    # per-dataset masking of head output (zero outside each dataset's systems)
    outs = []
    for d in range(N_EXPERTS):
        dataset_mask = (dataset_ids == d)
        outs.append(jnp.where(dataset_mask, energy, jnp.zeros_like(energy)))
    full_output = jnp.stack(outs, axis=0)  # [num_datasets, B_SYS]
    return full_output

if __name__ == "__main__":
    import jax
    _d = setup_inputs()
    print(jax.jit(kernel)(*tuple(_d.values())))

</pallas_src>

<mosaic_0001>
#map = affine_map<(d0, d1) -> (0, 0)>
#map1 = affine_map<(d0, d1) -> (0)>
module attributes {stable_mosaic.version = 14 : i64} {
  func.func @_gather_body(%arg0: i32, %arg1: i32, %arg2: memref<4096x512xi32, #tpu.memory_space<hbm>>, %arg3: memref<4608xi32, #tpu.memory_space<hbm>>, %arg4: memref<1536x512xi32, #tpu.memory_space<hbm>>, %arg5: memref<48xi32, #tpu.memory_space<vmem>>, %arg6: memref<48x512xi32, #tpu.memory_space<vmem>>, %arg7: memref<48x512xi32, #tpu.memory_space<vmem>>, %arg8: memref<!tpu.dma_semaphore, #tpu.memory_space<semaphore_mem>>, %arg9: memref<!tpu.dma_semaphore, #tpu.memory_space<semaphore_mem>>) attributes {dimension_semantics = [#tpu.dimension_semantics<core_parallel>, #tpu.dimension_semantics<subcore_parallel>], iteration_bounds = array<i64: 2, 16>, scalar_prefetch = 0 : i64, scratch_operands = 5 : i64, tpu.core_type = #tpu.core_type<sc_vector_subcore>, window_params = [{transform_indices = #map}, {transform_indices = #map1}, {transform_indices = #map}]} {
    %mul3A = arith.constant 2 : i32
    %mul3A_0 = arith.muli %arg1, %mul3A : i32
    %add3A = arith.addi %mul3A_0, %arg0 : i32
    %mul3A_1 = arith.constant 48 : i32
    %mul3A_2 = arith.muli %add3A, %mul3A_1 : i32
    %add3A_3 = arith.constant 0 : i32
    %add3A_4 = arith.addi %add3A_3, %mul3A_2 : i32
    "tpu.region"() ({
      %run_scoped3A = tpu.sem_alloc : memref<!tpu.dma_semaphore, #tpu.memory_space<semaphore_mem>>
      %dma_start3A_15 = tpu.memref_slice %arg3[%add3A_4] : memref<4608xi32, #tpu.memory_space<hbm>> -> memref<48xi32, #tpu.memory_space<hbm>>
      %dma_start3A_16 = tpu.memref_slice %arg3[%add3A_4] : memref<4608xi32, #tpu.memory_space<hbm>> -> memref<48xi32, #tpu.memory_space<hbm>>
      tpu.enqueue_dma source(%dma_start3A_16 : memref<48xi32, #tpu.memory_space<hbm>>) target(%arg5 : memref<48xi32, #tpu.memory_space<vmem>>) target_semaphore(%run_scoped3A : memref<!tpu.dma_semaphore, #tpu.memory_space<semaphore_mem>>)
      %dma_wait3A_17 = tpu.memref_slice %arg3[%add3A_4] : memref<4608xi32, #tpu.memory_space<hbm>> -> memref<48xi32, #tpu.memory_space<hbm>>
      %dma_wait3A_18 = tpu.memref_slice %arg3[%add3A_4] : memref<4608xi32, #tpu.memory_space<hbm>> -> memref<48xi32, #tpu.memory_space<hbm>>
      tpu.wait_dma2 semaphore(%run_scoped3A : memref<!tpu.dma_semaphore, #tpu.memory_space<semaphore_mem>>) src(%dma_wait3A_18 : memref<48xi32, #tpu.memory_space<hbm>>) dst(%arg5 : memref<48xi32, #tpu.memory_space<vmem>>)
      tpu.yield
    }) : () -> ()
    %dma_start3A = arith.constant 0 : i32
    %dma_start3A_5 = tpu.memref_slice %arg5[%dma_start3A] : memref<48xi32, #tpu.memory_space<vmem>> -> memref<48xi32, #tpu.memory_space<vmem>>
    %dma_start3A_6 = arith.constant 0 : i32
    %dma_start3A_7 = arith.constant 0 : i32
    %dma_start3A_8 = tpu.memref_slice %arg2[%dma_start3A_6, %dma_start3A_7] : memref<4096x512xi32, #tpu.memory_space<hbm>> -> memref<4096x512xi32, #tpu.memory_space<hbm>>
    tpu.enqueue_indirect_dma source(%dma_start3A_8 : memref<4096x512xi32, #tpu.memory_space<hbm>>) target(%arg6 : memref<48x512xi32, #tpu.memory_space<vmem>>) offsets(%dma_start3A_5 : memref<48xi32, #tpu.memory_space<vmem>>) semaphore(%arg8 : memref<!tpu.dma_semaphore, #tpu.memory_space<semaphore_mem>>)
    %dma_wait3A = arith.constant 0 : i32
    %dma_wait3A_9 = tpu.memref_slice %arg5[%dma_wait3A] : memref<48xi32, #tpu.memory_space<vmem>> -> memref<48xi32, #tpu.memory_space<vmem>>
    %dma_wait3A_10 = arith.constant 0 : i32
    %dma_wait3A_11 = arith.constant 0 : i32
    %dma_wait3A_12 = tpu.memref_slice %arg2[%dma_wait3A_10, %dma_wait3A_11] : memref<4096x512xi32, #tpu.memory_space<hbm>> -> memref<4096x512xi32, #tpu.memory_space<hbm>>
    tpu.wait_indirect_dma semaphore(%arg8 : memref<!tpu.dma_semaphore, #tpu.memory_space<semaphore_mem>>) src(%dma_wait3A_12 : memref<4096x512xi32, #tpu.memory_space<hbm>>) dst(%arg6 : memref<48x512xi32, #tpu.memory_space<vmem>>)
    %add3A_13 = arith.constant 0 : i32
    %add3A_14 = arith.addi %mul3A_2, %add3A_13 : i32
    "tpu.region"() ({
      %run_scoped3A = tpu.sem_alloc : memref<!tpu.dma_semaphore, #tpu.memory_space<semaphore_mem>>
      %dma_start3A_15 = arith.constant 0 : i32
      %dma_start3A_16 = tpu.memref_slice %arg4[%add3A_14, %dma_start3A_15] : memref<1536x512xi32, #tpu.memory_space<hbm>> -> memref<48x512xi32, #tpu.memory_space<hbm>>
      %dma_start3A_17 = arith.constant 0 : i32
      %dma_start3A_18 = tpu.memref_slice %arg4[%add3A_14, %dma_start3A_17] : memref<1536x512xi32, #tpu.memory_space<hbm>> -> memref<48x512xi32, #tpu.memory_space<hbm>>
      tpu.enqueue_dma source(%arg6 : memref<48x512xi32, #tpu.memory_space<vmem>>) target(%dma_start3A_18 : memref<48x512xi32, #tpu.memory_space<hbm>>) target_semaphore(%run_scoped3A : memref<!tpu.dma_semaphore, #tpu.memory_space<semaphore_mem>>)
      %dma_wait3A_19 = arith.constant 0 : i32
      %dma_wait3A_20 = tpu.memref_slice %arg4[%add3A_14, %dma_wait3A_19] : memref<1536x512xi32, #tpu.memory_space<hbm>> -> memref<48x512xi32, #tpu.memory_space<hbm>>
      %dma_wait3A_21 = arith.constant 0 : i32
      %dma_wait3A_22 = tpu.memref_slice %arg4[%add3A_14, %dma_wait3A_21] : memref<1536x512xi32, #tpu.memory_space<hbm>> -> memref<48x512xi32, #tpu.memory_space<hbm>>
      tpu.wait_dma2 semaphore(%run_scoped3A : memref<!tpu.dma_semaphore, #tpu.memory_space<semaphore_mem>>) src(%arg6 : memref<48x512xi32, #tpu.memory_space<vmem>>) dst(%dma_wait3A_22 : memref<48x512xi32, #tpu.memory_space<hbm>>)
      tpu.yield
    }) : () -> ()
    return
  }
}

#map = affine_map<(d0, d1) -> (0, 0)>
#map1 = affine_map<(d0, d1) -> (0)>
module attributes {stable_mosaic.version = 14 : i64} {
  func.func @_gather_body(%arg0: i32, %arg1: i32, %arg2: memref<4096x512xi32, #tpu.memory_space<hbm>>, %arg3: memref<4608xi32, #tpu.memory_space<hbm>>, %arg4: memref<1536x512xi32, #tpu.memory_space<hbm>>, %arg5: memref<48xi32, #tpu.memory_space<vmem>>, %arg6: memref<48x512xi32, #tpu.memory_space<vmem>>, %arg7: memref<48x512xi32, #tpu.memory_space<vmem>>, %arg8: memref<!tpu.dma_semaphore, #tpu.memory_space<semaphore_mem>>, %arg9: memref<!tpu.dma_semaphore, #tpu.memory_space<semaphore_mem>>) attributes {dimension_semantics = [#tpu.dimension_semantics<core_parallel>, #tpu.dimension_semantics<subcore_parallel>], iteration_bounds = array<i64: 2, 16>, scalar_prefetch = 0 : i64, scratch_operands = 5 : i64, tpu.core_type = #tpu.core_type<sc_vector_subcore>, window_params = [{transform_indices = #map}, {transform_indices = #map1}, {transform_indices = #map}]} {
    %mul3A = arith.constant 2 : i32
    %mul3A_0 = arith.muli %arg1, %mul3A : i32
    %add3A = arith.addi %mul3A_0, %arg0 : i32
    %mul3A_1 = arith.constant 48 : i32
    %mul3A_2 = arith.muli %add3A, %mul3A_1 : i32
    %add3A_3 = arith.constant 3072 : i32
    %add3A_4 = arith.addi %add3A_3, %mul3A_2 : i32
    "tpu.region"() ({
      %run_scoped3A = tpu.sem_alloc : memref<!tpu.dma_semaphore, #tpu.memory_space<semaphore_mem>>
      %dma_start3A_15 = tpu.memref_slice %arg3[%add3A_4] : memref<4608xi32, #tpu.memory_space<hbm>> -> memref<48xi32, #tpu.memory_space<hbm>>
      %dma_start3A_16 = tpu.memref_slice %arg3[%add3A_4] : memref<4608xi32, #tpu.memory_space<hbm>> -> memref<48xi32, #tpu.memory_space<hbm>>
      tpu.enqueue_dma source(%dma_start3A_16 : memref<48xi32, #tpu.memory_space<hbm>>) target(%arg5 : memref<48xi32, #tpu.memory_space<vmem>>) target_semaphore(%run_scoped3A : memref<!tpu.dma_semaphore, #tpu.memory_space<semaphore_mem>>)
      %dma_wait3A_17 = tpu.memref_slice %arg3[%add3A_4] : memref<4608xi32, #tpu.memory_space<hbm>> -> memref<48xi32, #tpu.memory_space<hbm>>
      %dma_wait3A_18 = tpu.memref_slice %arg3[%add3A_4] : memref<4608xi32, #tpu.memory_space<hbm>> -> memref<48xi32, #tpu.memory_space<hbm>>
      tpu.wait_dma2 semaphore(%run_scoped3A : memref<!tpu.dma_semaphore, #tpu.memory_space<semaphore_mem>>) src(%dma_wait3A_18 : memref<48xi32, #tpu.memory_space<hbm>>) dst(%arg5 : memref<48xi32, #tpu.memory_space<vmem>>)
      tpu.yield
    }) : () -> ()
    %dma_start3A = arith.constant 0 : i32
    %dma_start3A_5 = tpu.memref_slice %arg5[%dma_start3A] : memref<48xi32, #tpu.memory_space<vmem>> -> memref<48xi32, #tpu.memory_space<vmem>>
    %dma_start3A_6 = arith.constant 0 : i32
    %dma_start3A_7 = arith.constant 0 : i32
    %dma_start3A_8 = tpu.memref_slice %arg2[%dma_start3A_6, %dma_start3A_7] : memref<4096x512xi32, #tpu.memory_space<hbm>> -> memref<4096x512xi32, #tpu.memory_space<hbm>>
    tpu.enqueue_indirect_dma source(%dma_start3A_8 : memref<4096x512xi32, #tpu.memory_space<hbm>>) target(%arg6 : memref<48x512xi32, #tpu.memory_space<vmem>>) offsets(%dma_start3A_5 : memref<48xi32, #tpu.memory_space<vmem>>) semaphore(%arg8 : memref<!tpu.dma_semaphore, #tpu.memory_space<semaphore_mem>>)
    %dma_wait3A = arith.constant 0 : i32
    %dma_wait3A_9 = tpu.memref_slice %arg5[%dma_wait3A] : memref<48xi32, #tpu.memory_space<vmem>> -> memref<48xi32, #tpu.memory_space<vmem>>
    %dma_wait3A_10 = arith.constant 0 : i32
    %dma_wait3A_11 = arith.constant 0 : i32
    %dma_wait3A_12 = tpu.memref_slice %arg2[%dma_wait3A_10, %dma_wait3A_11] : memref<4096x512xi32, #tpu.memory_space<hbm>> -> memref<4096x512xi32, #tpu.memory_space<hbm>>
    tpu.wait_indirect_dma semaphore(%arg8 : memref<!tpu.dma_semaphore, #tpu.memory_space<semaphore_mem>>) src(%dma_wait3A_12 : memref<4096x512xi32, #tpu.memory_space<hbm>>) dst(%arg6 : memref<48x512xi32, #tpu.memory_space<vmem>>)
    %add3A_13 = arith.constant 0 : i32
    %add3A_14 = arith.addi %mul3A_2, %add3A_13 : i32
    "tpu.region"() ({
      %run_scoped3A = tpu.sem_alloc : memref<!tpu.dma_semaphore, #tpu.memory_space<semaphore_mem>>
      %dma_start3A_15 = arith.constant 0 : i32
      %dma_start3A_16 = tpu.memref_slice %arg4[%add3A_14, %dma_start3A_15] : memref<1536x512xi32, #tpu.memory_space<hbm>> -> memref<48x512xi32, #tpu.memory_space<hbm>>
      %dma_start3A_17 = arith.constant 0 : i32
      %dma_start3A_18 = tpu.memref_slice %arg4[%add3A_14, %dma_start3A_17] : memref<1536x512xi32, #tpu.memory_space<hbm>> -> memref<48x512xi32, #tpu.memory_space<hbm>>
      tpu.enqueue_dma source(%arg6 : memref<48x512xi32, #tpu.memory_space<vmem>>) target(%dma_start3A_18 : memref<48x512xi32, #tpu.memory_space<hbm>>) target_semaphore(%run_scoped3A : memref<!tpu.dma_semaphore, #tpu.memory_space<semaphore_mem>>)
      %dma_wait3A_19 = arith.constant 0 : i32
      %dma_wait3A_20 = tpu.memref_slice %arg4[%add3A_14, %dma_wait3A_19] : memref<1536x512xi32, #tpu.memory_space<hbm>> -> memref<48x512xi32, #tpu.memory_space<hbm>>
      %dma_wait3A_21 = arith.constant 0 : i32
      %dma_wait3A_22 = tpu.memref_slice %arg4[%add3A_14, %dma_wait3A_21] : memref<1536x512xi32, #tpu.memory_space<hbm>> -> memref<48x512xi32, #tpu.memory_space<hbm>>
      tpu.wait_dma2 semaphore(%run_scoped3A : memref<!tpu.dma_semaphore, #tpu.memory_space<semaphore_mem>>) src(%arg6 : memref<48x512xi32, #tpu.memory_space<vmem>>) dst(%dma_wait3A_22 : memref<48x512xi32, #tpu.memory_space<hbm>>)
      tpu.yield
    }) : () -> ()
    return
  }
}

#map = affine_map<(d0, d1) -> (0)>
module attributes {stable_mosaic.version = 14 : i64} {
  func.func @_route_body(%arg0: i32, %arg1: i32, %arg2: memref<4096xi32, #tpu.memory_space<hbm>>, %arg3: memref<128xi32, #tpu.memory_space<hbm>>, %arg4: memref<4608xi32, #tpu.memory_space<hbm>>, %arg5: memref<4608xi32, #tpu.memory_space<hbm>>, %arg6: memref<48xi32, #tpu.memory_space<hbm>>, %arg7: memref<4096xi32, #tpu.memory_space<vmem>>, %arg8: memref<128xi32, #tpu.memory_space<vmem>>, %arg9: memref<4608xi32, #tpu.memory_space<vmem>>, %arg10: memref<4608xi32, #tpu.memory_space<vmem>>, %arg11: memref<48xi32, #tpu.memory_space<vmem>>) attributes {dimension_semantics = [#tpu.dimension_semantics<core_parallel>, #tpu.dimension_semantics<subcore_parallel>], iteration_bounds = array<i64: 2, 16>, scalar_prefetch = 0 : i64, scratch_operands = 5 : i64, tpu.core_type = #tpu.core_type<sc_vector_subcore>, window_params = [{transform_indices = #map}, {transform_indices = #map}, {transform_indices = #map}, {transform_indices = #map}, {transform_indices = #map}]} {
    %eq3A = arith.constant 0 : i32
    %eq3A_0 = arith.cmpi eq, %arg0, %eq3A : i32
    %eq3A_1 = arith.constant 0 : i32
    %eq3A_2 = arith.cmpi eq, %arg1, %eq3A_1 : i32
    %and3A = arith.andi %eq3A_0, %eq3A_2 : i1
    %convert_element_type3A = arith.extui %and3A : i1 to i32
    %cond3A = arith.constant 0 : i32
    %cond3A_3 = arith.cmpi ne, %convert_element_type3A, %cond3A : i32
    scf.if %cond3A_3 {
      "tpu.region"() ({
        %run_scoped3A = tpu.sem_alloc : memref<!tpu.dma_semaphore, #tpu.memory_space<semaphore_mem>>
        tpu.enqueue_dma source(%arg2 : memref<4096xi32, #tpu.memory_space<hbm>>) target(%arg7 : memref<4096xi32, #tpu.memory_space<vmem>>) target_semaphore(%run_scoped3A : memref<!tpu.dma_semaphore, #tpu.memory_space<semaphore_mem>>)
        tpu.wait_dma2 semaphore(%run_scoped3A : memref<!tpu.dma_semaphore, #tpu.memory_space<semaphore_mem>>) src(%arg2 : memref<4096xi32, #tpu.memory_space<hbm>>) dst(%arg7 : memref<4096xi32, #tpu.memory_space<vmem>>)
        tpu.yield
      }) : () -> ()
      "tpu.region"() ({
        %run_scoped3A = tpu.sem_alloc : memref<!tpu.dma_semaphore, #tpu.memory_space<semaphore_mem>>
        tpu.enqueue_dma source(%arg3 : memref<128xi32, #tpu.memory_space<hbm>>) target(%arg8 : memref<128xi32, #tpu.memory_space<vmem>>) target_semaphore(%run_scoped3A : memref<!tpu.dma_semaphore, #tpu.memory_space<semaphore_mem>>)
        tpu.wait_dma2 semaphore(%run_scoped3A : memref<!tpu.dma_semaphore, #tpu.memory_space<semaphore_mem>>) src(%arg3 : memref<128xi32, #tpu.memory_space<hbm>>) dst(%arg8 : memref<128xi32, #tpu.memory_space<vmem>>)
        tpu.yield
      }) : () -> ()
      %broadcast_in_dim3A = arith.constant 0 : i32
      %broadcast_in_dim3A_4 = vector.broadcast %broadcast_in_dim3A : i32 to vector<16xi32>
      %broadcast_in_dim3A_5 = arith.constant -1 : i32
      %broadcast_in_dim3A_6 = vector.broadcast %broadcast_in_dim3A_5 : i32 to vector<16xi32>
      %scan3A = arith.constant 0 : i32
      %scan3A_7 = arith.constant 0 : i32
      %scan3A_8 = arith.constant 288 : i32
      %scan3A_9 = arith.addi %scan3A_7, %scan3A_8 : i32
      %scan3A_10 = arith.constant 1 : i32
      scf.for %scan3A_162 = %scan3A_7 to %scan3A_9 step %scan3A_10  : i32 {
        %mul3A_163 = arith.constant 16 : i32
        %mul3A_164 = arith.muli %scan3A_162, %mul3A_163 : i32
        %swap3A_165 = arith.index_cast %mul3A_164 : i32 to index
        %swap3A_166 = tpu.vector_load %arg9[%swap3A_165] {strides = array<i32>} : memref<4608xi32, #tpu.memory_space<vmem>>, vector<16xi32>,
        tpu.vector_store %arg9[%swap3A_165], %broadcast_in_dim3A_4 {strides = array<i32>} : memref<4608xi32, #tpu.memory_space<vmem>>, vector<16xi32>,
        %mul3A_167 = arith.constant 16 : i32
        %mul3A_168 = arith.muli %scan3A_162, %mul3A_167 : i32
        %swap3A_169 = arith.index_cast %mul3A_168 : i32 to index
        %swap3A_170 = tpu.vector_load %arg10[%swap3A_169] {strides = array<i32>} : memref<4608xi32, #tpu.memory_space<vmem>>, vector<16xi32>,
        tpu.vector_store %arg10[%swap3A_169], %broadcast_in_dim3A_6 {strides = array<i32>} : memref<4608xi32, #tpu.memory_space<vmem>>, vector<16xi32>,
      }
      %scan3A_11 = arith.constant 288 : i32
      %scan3A_12 = arith.constant 0 : i32
      %scan3A_13 = arith.constant 0 : i32
      %scan3A_14 = arith.constant 0 : i32
      %scan3A_15 = arith.constant 0 : i32
      %scan3A_16 = arith.constant 0 : i32
      %scan3A_17 = arith.constant 256 : i32
      %scan3A_18 = arith.addi %scan3A_16, %scan3A_17 : i32
      %scan3A_19 = arith.constant 1 : i32
      %scan3A_20:4 = scf.for %scan3A_162 = %scan3A_16 to %scan3A_18 step %scan3A_19 iter_args(%scan3A_163 = %scan3A_12, %scan3A_164 = %scan3A_13, %scan3A_165 = %scan3A_14, %scan3A_166 = %scan3A_15) -> (i32, i32, i32, i32)  : i32 {
        %mul3A_167 = arith.constant 16 : i32
        %mul3A_168 = arith.muli %scan3A_162, %mul3A_167 : i32
        %get3A = arith.index_cast %mul3A_168 : i32 to index
        %get3A_169 = tpu.vector_load %arg7[%get3A] {strides = array<i32>} : memref<4096xi32, #tpu.memory_space<vmem>>, vector<16xi32>,
        %gather3A = tpu.vector_load_idx %arg8[%get3A_169] : memref<128xi32, #tpu.memory_space<vmem>>[vector<16xi32>], vector<16xi32>,
        %eq3A_170 = arith.constant 0 : i32
        %eq3A_171 = vector.broadcast %eq3A_170 : i32 to vector<16xi32>
        %eq3A_172 = arith.cmpi eq, %gather3A, %eq3A_171 : vector<16xi32>
        %convert_element_type3A_173 = arith.extui %eq3A_172 : vector<16xi1> to vector<16xi32>
        %reduce_sum3A = arith.constant true
        %reduce_sum3A_174 = vector.broadcast %reduce_sum3A : i1 to vector<16xi1>
        %reduce_sum3A_175 = tpu.scan <sum>, %convert_element_type3A_173 masked %reduce_sum3A_174 : vector<16xi32>, vector<16xi1> -> vector<16xi32>
        %reduce_sum3A_176 = vector.extract %reduce_sum3A_175[15] : i32 from vector<16xi32>
        %add3A_177 = arith.addi %scan3A_163, %reduce_sum3A_176 : i32
        %eq3A_178 = arith.constant 1 : i32
        %eq3A_179 = vector.broadcast %eq3A_178 : i32 to vector<16xi32>
        %eq3A_180 = arith.cmpi eq, %gather3A, %eq3A_179 : vector<16xi32>
        %convert_element_type3A_181 = arith.extui %eq3A_180 : vector<16xi1> to vector<16xi32>
        %reduce_sum3A_182 = arith.constant true
        %reduce_sum3A_183 = vector.broadcast %reduce_sum3A_182 : i1 to vector<16xi1>
        %reduce_sum3A_184 = tpu.scan <sum>, %convert_element_type3A_181 masked %reduce_sum3A_183 : vector<16xi32>, vector<16xi1> -> vector<16xi32>
        %reduce_sum3A_185 = vector.extract %reduce_sum3A_184[15] : i32 from vector<16xi32>
        %add3A_186 = arith.addi %scan3A_164, %reduce_sum3A_185 : i32
        %eq3A_187 = arith.constant 2 : i32
        %eq3A_188 = vector.broadcast %eq3A_187 : i32 to vector<16xi32>
        %eq3A_189 = arith.cmpi eq, %gather3A, %eq3A_188 : vector<16xi32>
        %convert_element_type3A_190 = arith.extui %eq3A_189 : vector<16xi1> to vector<16xi32>
        %reduce_sum3A_191 = arith.constant true
        %reduce_sum3A_192 = vector.broadcast %reduce_sum3A_191 : i1 to vector<16xi1>
        %reduce_sum3A_193 = tpu.scan <sum>, %convert_element_type3A_190 masked %reduce_sum3A_192 : vector<16xi32>, vector<16xi1> -> vector<16xi32>
        %reduce_sum3A_194 = vector.extract %reduce_sum3A_193[15] : i32 from vector<16xi32>
        %add3A_195 = arith.addi %scan3A_165, %reduce_sum3A_194 : i32
        %eq3A_196 = arith.constant 3 : i32
        %eq3A_197 = vector.broadcast %eq3A_196 : i32 to vector<16xi32>
        %eq3A_198 = arith.cmpi eq, %gather3A, %eq3A_197 : vector<16xi32>
        %convert_element_type3A_199 = arith.extui %eq3A_198 : vector<16xi1> to vector<16xi32>
        %reduce_sum3A_200 = arith.constant true
        %reduce_sum3A_201 = vector.broadcast %reduce_sum3A_200 : i1 to vector<16xi1>
        %reduce_sum3A_202 = tpu.scan <sum>, %convert_element_type3A_199 masked %reduce_sum3A_201 : vector<16xi32>, vector<16xi1> -> vector<16xi32>
        %reduce_sum3A_203 = vector.extract %reduce_sum3A_202[15] : i32 from vector<16xi32>
        %add3A_204 = arith.addi %scan3A_166, %reduce_sum3A_203 : i32
        scf.yield %add3A_177, %add3A_186, %add3A_195, %add3A_204 : i32, i32, i32, i32
      }
      %scan3A_21 = arith.constant 256 : i32
      %add3A = arith.constant 128 : i32
      %add3A_22 = arith.addi %scan3A_20#0, %add3A : i32
      %sub3A = arith.constant 1 : i32
      %sub3A_23 = arith.subi %add3A_22, %sub3A : i32
      %jit3A = arith.constant 128 : i32
      %div3A = arith.divsi %sub3A_23, %jit3A : i32
      %sign3A = arith.constant 0 : i32
      %sign3A_24 = arith.cmpi sgt, %sub3A_23, %sign3A : i32
      %sign3A_25 = arith.extui %sign3A_24 : i1 to i32
      %sign3A_26 = arith.constant 0 : i32
      %sign3A_27 = arith.cmpi slt, %sub3A_23, %sign3A_26 : i32
      %sign3A_28 = arith.extui %sign3A_27 : i1 to i32
      %sign3A_29 = arith.subi %sign3A_25, %sign3A_28 : i32
      %sign3A_30 = arith.constant 0 : i32
      %sign3A_31 = arith.cmpi sgt, %jit3A, %sign3A_30 : i32
      %sign3A_32 = arith.extui %sign3A_31 : i1 to i32
      %sign3A_33 = arith.constant 0 : i32
      %sign3A_34 = arith.cmpi slt, %jit3A, %sign3A_33 : i32
      %sign3A_35 = arith.extui %sign3A_34 : i1 to i32
      %sign3A_36 = arith.subi %sign3A_32, %sign3A_35 : i32
      %ne3A = arith.cmpi ne, %sign3A_29, %sign3A_36 : i32
      %rem3A = arith.remsi %sub3A_23, %jit3A : i32
      %ne3A_37 = arith.constant 0 : i32
      %ne3A_38 = arith.cmpi ne, %rem3A, %ne3A_37 : i32
      %and3A_39 = arith.andi %ne3A, %ne3A_38 : i1
      %sub3A_40 = arith.constant 1 : i32
      %sub3A_41 = arith.subi %div3A, %sub3A_40 : i32
      %select_n3A = arith.select %and3A_39, %sub3A_41, %div3A : i32
      %mul3A = arith.constant 128 : i32
      %mul3A_42 = arith.muli %select_n3A, %mul3A : i32
      %add3A_43 = arith.constant 128 : i32
      %add3A_44 = arith.addi %scan3A_20#1, %add3A_43 : i32
      %sub3A_45 = arith.constant 1 : i32
      %sub3A_46 = arith.subi %add3A_44, %sub3A_45 : i32
      %jit3A_47 = arith.constant 128 : i32
      %div3A_48 = arith.divsi %sub3A_46, %jit3A_47 : i32
      %sign3A_49 = arith.constant 0 : i32
      %sign3A_50 = arith.cmpi sgt, %sub3A_46, %sign3A_49 : i32
      %sign3A_51 = arith.extui %sign3A_50 : i1 to i32
      %sign3A_52 = arith.constant 0 : i32
      %sign3A_53 = arith.cmpi slt, %sub3A_46, %sign3A_52 : i32
      %sign3A_54 = arith.extui %sign3A_53 : i1 to i32
      %sign3A_55 = arith.subi %sign3A_51, %sign3A_54 : i32
      %sign3A_56 = arith.constant 0 : i32
      %sign3A_57 = arith.cmpi sgt, %jit3A_47, %sign3A_56 : i32
      %sign3A_58 = arith.extui %sign3A_57 : i1 to i32
      %sign3A_59 = arith.constant 0 : i32
      %sign3A_60 = arith.cmpi slt, %jit3A_47, %sign3A_59 : i32
      %sign3A_61 = arith.extui %sign3A_60 : i1 to i32
      %sign3A_62 = arith.subi %sign3A_58, %sign3A_61 : i32
      %ne3A_63 = arith.cmpi ne, %sign3A_55, %sign3A_62 : i32
      %rem3A_64 = arith.remsi %sub3A_46, %jit3A_47 : i32
      %ne3A_65 = arith.constant 0 : i32
      %ne3A_66 = arith.cmpi ne, %rem3A_64, %ne3A_65 : i32
      %and3A_67 = arith.andi %ne3A_63, %ne3A_66 : i1
      %sub3A_68 = arith.constant 1 : i32
      %sub3A_69 = arith.subi %div3A_48, %sub3A_68 : i32
      %select_n3A_70 = arith.select %and3A_67, %sub3A_69, %div3A_48 : i32
      %mul3A_71 = arith.constant 128 : i32
      %mul3A_72 = arith.muli %select_n3A_70, %mul3A_71 : i32
      %add3A_73 = arith.addi %mul3A_42, %mul3A_72 : i32
      %add3A_74 = arith.constant 128 : i32
      %add3A_75 = arith.addi %scan3A_20#2, %add3A_74 : i32
      %sub3A_76 = arith.constant 1 : i32
      %sub3A_77 = arith.subi %add3A_75, %sub3A_76 : i32
      %jit3A_78 = arith.constant 128 : i32
      %div3A_79 = arith.divsi %sub3A_77, %jit3A_78 : i32
      %sign3A_80 = arith.constant 0 : i32
      %sign3A_81 = arith.cmpi sgt, %sub3A_77, %sign3A_80 : i32
      %sign3A_82 = arith.extui %sign3A_81 : i1 to i32
      %sign3A_83 = arith.constant 0 : i32
      %sign3A_84 = arith.cmpi slt, %sub3A_77, %sign3A_83 : i32
      %sign3A_85 = arith.extui %sign3A_84 : i1 to i32
      %sign3A_86 = arith.subi %sign3A_82, %sign3A_85 : i32
      %sign3A_87 = arith.constant 0 : i32
      %sign3A_88 = arith.cmpi sgt, %jit3A_78, %sign3A_87 : i32
      %sign3A_89 = arith.extui %sign3A_88 : i1 to i32
      %sign3A_90 = arith.constant 0 : i32
      %sign3A_91 = arith.cmpi slt, %jit3A_78, %sign3A_90 : i32
      %sign3A_92 = arith.extui %sign3A_91 : i1 to i32
      %sign3A_93 = arith.subi %sign3A_89, %sign3A_92 : i32
      %ne3A_94 = arith.cmpi ne, %sign3A_86, %sign3A_93 : i32
      %rem3A_95 = arith.remsi %sub3A_77, %jit3A_78 : i32
      %ne3A_96 = arith.constant 0 : i32
      %ne3A_97 = arith.cmpi ne, %rem3A_95, %ne3A_96 : i32
      %and3A_98 = arith.andi %ne3A_94, %ne3A_97 : i1
      %sub3A_99 = arith.constant 1 : i32
      %sub3A_100 = arith.subi %div3A_79, %sub3A_99 : i32
      %select_n3A_101 = arith.select %and3A_98, %sub3A_100, %div3A_79 : i32
      %mul3A_102 = arith.constant 128 : i32
      %mul3A_103 = arith.muli %select_n3A_101, %mul3A_102 : i32
      %add3A_104 = arith.addi %add3A_73, %mul3A_103 : i32
      %iota3A = tpu.iota {dimensions = array<i32: 0>} : vector<16xi32>
      %mul3A_105 = arith.constant 128 : i32
      %mul3A_106 = vector.broadcast %mul3A_105 : i32 to vector<16xi32>
      %mul3A_107 = arith.muli %iota3A, %mul3A_106 : vector<16xi32>
      %add3A_108 = arith.constant 0 : i32
      %add3A_109 = vector.broadcast %add3A_108 : i32 to vector<16xi32>
      %add3A_110 = arith.addi %mul3A_107, %add3A_109 : vector<16xi32>
      %ge3A = vector.broadcast %mul3A_42 : i32 to vector<16xi32>
      %ge3A_111 = arith.cmpi sge, %add3A_110, %ge3A : vector<16xi32>
      %convert_element_type3A_112 = arith.extui %ge3A_111 : vector<16xi1> to vector<16xi32>
      %ge3A_113 = vector.broadcast %add3A_73 : i32 to vector<16xi32>
      %ge3A_114 = arith.cmpi sge, %add3A_110, %ge3A_113 : vector<16xi32>
      %convert_element_type3A_115 = arith.extui %ge3A_114 : vector<16xi1> to vector<16xi32>
      %add3A_116 = arith.addi %convert_element_type3A_112, %convert_element_type3A_115 : vector<16xi32>
      %ge3A_117 = vector.broadcast %add3A_104 : i32 to vector<16xi32>
      %ge3A_118 = arith.cmpi sge, %add3A_110, %ge3A_117 : vector<16xi32>
      %convert_element_type3A_119 = arith.extui %ge3A_118 : vector<16xi1> to vector<16xi32>
      %add3A_120 = arith.addi %add3A_116, %convert_element_type3A_119 : vector<16xi32>
      %swap3A = arith.constant 0 : index
      %swap3A_121 = tpu.vector_load %arg11[%swap3A] {strides = array<i32>} : memref<48xi32, #tpu.memory_space<vmem>>, vector<16xi32>,
      tpu.vector_store %arg11[%swap3A], %add3A_120 {strides = array<i32>} : memref<48xi32, #tpu.memory_space<vmem>>, vector<16xi32>,
      %add3A_122 = arith.constant 2048 : i32
      %add3A_123 = vector.broadcast %add3A_122 : i32 to vector<16xi32>
      %add3A_124 = arith.addi %mul3A_107, %add3A_123 : vector<16xi32>
      %ge3A_125 = vector.broadcast %mul3A_42 : i32 to vector<16xi32>
      %ge3A_126 = arith.cmpi sge, %add3A_124, %ge3A_125 : vector<16xi32>
      %convert_element_type3A_127 = arith.extui %ge3A_126 : vector<16xi1> to vector<16xi32>
      %ge3A_128 = vector.broadcast %add3A_73 : i32 to vector<16xi32>
      %ge3A_129 = arith.cmpi sge, %add3A_124, %ge3A_128 : vector<16xi32>
      %convert_element_type3A_130 = arith.extui %ge3A_129 : vector<16xi1> to vector<16xi32>
      %add3A_131 = arith.addi %convert_element_type3A_127, %convert_element_type3A_130 : vector<16xi32>
      %ge3A_132 = vector.broadcast %add3A_104 : i32 to vector<16xi32>
      %ge3A_133 = arith.cmpi sge, %add3A_124, %ge3A_132 : vector<16xi32>
      %convert_element_type3A_134 = arith.extui %ge3A_133 : vector<16xi1> to vector<16xi32>
      %add3A_135 = arith.addi %add3A_131, %convert_element_type3A_134 : vector<16xi32>
      %swap3A_136 = arith.constant 16 : index
      %swap3A_137 = tpu.vector_load %arg11[%swap3A_136] {strides = array<i32>} : memref<48xi32, #tpu.memory_space<vmem>>, vector<16xi32>,
      tpu.vector_store %arg11[%swap3A_136], %add3A_135 {strides = array<i32>} : memref<48xi32, #tpu.memory_space<vmem>>, vector<16xi32>,
      %add3A_138 = arith.constant 4096 : i32
      %add3A_139 = vector.broadcast %add3A_138 : i32 to vector<16xi32>
      %add3A_140 = arith.addi %mul3A_107, %add3A_139 : vector<16xi32>
      %ge3A_141 = vector.broadcast %mul3A_42 : i32 to vector<16xi32>
      %ge3A_142 = arith.cmpi sge, %add3A_140, %ge3A_141 : vector<16xi32>
      %convert_element_type3A_143 = arith.extui %ge3A_142 : vector<16xi1> to vector<16xi32>
      %ge3A_144 = vector.broadcast %add3A_73 : i32 to vector<16xi32>
      %ge3A_145 = arith.cmpi sge, %add3A_140, %ge3A_144 : vector<16xi32>
      %convert_element_type3A_146 = arith.extui %ge3A_145 : vector<16xi1> to vector<16xi32>
      %add3A_147 = arith.addi %convert_element_type3A_143, %convert_element_type3A_146 : vector<16xi32>
      %ge3A_148 = vector.broadcast %add3A_104 : i32 to vector<16xi32>
      %ge3A_149 = arith.cmpi sge, %add3A_140, %ge3A_148 : vector<16xi32>
      %convert_element_type3A_150 = arith.extui %ge3A_149 : vector<16xi1> to vector<16xi32>
      %add3A_151 = arith.addi %add3A_147, %convert_element_type3A_150 : vector<16xi32>
      %swap3A_152 = arith.constant 32 : index
      %swap3A_153 = tpu.vector_load %arg11[%swap3A_152] {strides = array<i32>} : memref<48xi32, #tpu.memory_space<vmem>>, vector<16xi32>,
      tpu.vector_store %arg11[%swap3A_152], %add3A_151 {strides = array<i32>} : memref<48xi32, #tpu.memory_space<vmem>>, vector<16xi32>,
      %iota3A_154 = tpu.iota {dimensions = array<i32: 0>} : vector<16xi32>
      %scan3A_155 = arith.constant 0 : i32
      %scan3A_156 = arith.constant 0 : i32
      %scan3A_157 = arith.constant 256 : i32
      %scan3A_158 = arith.addi %scan3A_156, %scan3A_157 : i32
      %scan3A_159 = arith.constant 1 : i32
      %scan3A_160:4 = scf.for %scan3A_162 = %scan3A_156 to %scan3A_158 step %scan3A_159 iter_args(%scan3A_163 = %scan3A_155, %scan3A_164 = %mul3A_42, %scan3A_165 = %add3A_73, %scan3A_166 = %add3A_104) -> (i32, i32, i32, i32)  : i32 {
        %mul3A_167 = arith.constant 16 : i32
        %mul3A_168 = arith.muli %scan3A_162, %mul3A_167 : i32
        %get3A = arith.index_cast %mul3A_168 : i32 to index
        %get3A_169 = tpu.vector_load %arg7[%get3A] {strides = array<i32>} : memref<4096xi32, #tpu.memory_space<vmem>>, vector<16xi32>,
        %gather3A = tpu.vector_load_idx %arg8[%get3A_169] : memref<128xi32, #tpu.memory_space<vmem>>[vector<16xi32>], vector<16xi32>,
        %broadcast_in_dim3A_170 = arith.constant 0 : i32
        %broadcast_in_dim3A_171 = vector.broadcast %broadcast_in_dim3A_170 : i32 to vector<16xi32>
        %eq3A_172 = arith.constant 0 : i32
        %eq3A_173 = vector.broadcast %eq3A_172 : i32 to vector<16xi32>
        %eq3A_174 = arith.cmpi eq, %gather3A, %eq3A_173 : vector<16xi32>
        %convert_element_type3A_175 = arith.extui %eq3A_174 : vector<16xi1> to vector<16xi32>
        %broadcast_in_dim3A_176 = arith.constant true
        %broadcast_in_dim3A_177 = vector.broadcast %broadcast_in_dim3A_176 : i1 to vector<16xi1>
        %masked_cumsum3A = tpu.scan <sum>, %convert_element_type3A_175 masked %broadcast_in_dim3A_177 : vector<16xi32>, vector<16xi1> -> vector<16xi32>
        %sub3A_178 = arith.constant 1 : i32
        %sub3A_179 = vector.broadcast %sub3A_178 : i32 to vector<16xi32>
        %sub3A_180 = arith.subi %masked_cumsum3A, %sub3A_179 : vector<16xi32>
        %add3A_181 = vector.broadcast %scan3A_163 : i32 to vector<16xi32>
        %add3A_182 = arith.addi %add3A_181, %sub3A_180 : vector<16xi32>
        %select_n3A_183 = arith.select %eq3A_174, %add3A_182, %broadcast_in_dim3A_171 : vector<16xi1>, vector<16xi32>
        %reduce_sum3A = arith.constant true
        %reduce_sum3A_184 = vector.broadcast %reduce_sum3A : i1 to vector<16xi1>
        %reduce_sum3A_185 = tpu.scan <sum>, %convert_element_type3A_175 masked %reduce_sum3A_184 : vector<16xi32>, vector<16xi1> -> vector<16xi32>
        %reduce_sum3A_186 = vector.extract %reduce_sum3A_185[15] : i32 from vector<16xi32>
        %add3A_187 = arith.addi %scan3A_163, %reduce_sum3A_186 : i32
        %eq3A_188 = arith.constant 1 : i32
        %eq3A_189 = vector.broadcast %eq3A_188 : i32 to vector<16xi32>
        %eq3A_190 = arith.cmpi eq, %gather3A, %eq3A_189 : vector<16xi32>
        %convert_element_type3A_191 = arith.extui %eq3A_190 : vector<16xi1> to vector<16xi32>
        %broadcast_in_dim3A_192 = arith.constant true
        %broadcast_in_dim3A_193 = vector.broadcast %broadcast_in_dim3A_192 : i1 to vector<16xi1>
        %masked_cumsum3A_194 = tpu.scan <sum>, %convert_element_type3A_191 masked %broadcast_in_dim3A_193 : vector<16xi32>, vector<16xi1> -> vector<16xi32>
        %sub3A_195 = arith.constant 1 : i32
        %sub3A_196 = vector.broadcast %sub3A_195 : i32 to vector<16xi32>
        %sub3A_197 = arith.subi %masked_cumsum3A_194, %sub3A_196 : vector<16xi32>
        %add3A_198 = vector.broadcast %scan3A_164 : i32 to vector<16xi32>
        %add3A_199 = arith.addi %add3A_198, %sub3A_197 : vector<16xi32>
        %select_n3A_200 = arith.select %eq3A_190, %add3A_199, %select_n3A_183 : vector<16xi1>, vector<16xi32>
        %reduce_sum3A_201 = arith.constant true
        %reduce_sum3A_202 = vector.broadcast %reduce_sum3A_201 : i1 to vector<16xi1>
        %reduce_sum3A_203 = tpu.scan <sum>, %convert_element_type3A_191 masked %reduce_sum3A_202 : vector<16xi32>, vector<16xi1> -> vector<16xi32>
        %reduce_sum3A_204 = vector.extract %reduce_sum3A_203[15] : i32 from vector<16xi32>
        %add3A_205 = arith.addi %scan3A_164, %reduce_sum3A_204 : i32
        %eq3A_206 = arith.constant 2 : i32
        %eq3A_207 = vector.broadcast %eq3A_206 : i32 to vector<16xi32>
        %eq3A_208 = arith.cmpi eq, %gather3A, %eq3A_207 : vector<16xi32>
        %convert_element_type3A_209 = arith.extui %eq3A_208 : vector<16xi1> to vector<16xi32>
        %broadcast_in_dim3A_210 = arith.constant true
        %broadcast_in_dim3A_211 = vector.broadcast %broadcast_in_dim3A_210 : i1 to vector<16xi1>
        %masked_cumsum3A_212 = tpu.scan <sum>, %convert_element_type3A_209 masked %broadcast_in_dim3A_211 : vector<16xi32>, vector<16xi1> -> vector<16xi32>
        %sub3A_213 = arith.constant 1 : i32
        %sub3A_214 = vector.broadcast %sub3A_213 : i32 to vector<16xi32>
        %sub3A_215 = arith.subi %masked_cumsum3A_212, %sub3A_214 : vector<16xi32>
        %add3A_216 = vector.broadcast %scan3A_165 : i32 to vector<16xi32>
        %add3A_217 = arith.addi %add3A_216, %sub3A_215 : vector<16xi32>
        %select_n3A_218 = arith.select %eq3A_208, %add3A_217, %select_n3A_200 : vector<16xi1>, vector<16xi32>
        %reduce_sum3A_219 = arith.constant true
        %reduce_sum3A_220 = vector.broadcast %reduce_sum3A_219 : i1 to vector<16xi1>
        %reduce_sum3A_221 = tpu.scan <sum>, %convert_element_type3A_209 masked %reduce_sum3A_220 : vector<16xi32>, vector<16xi1> -> vector<16xi32>
        %reduce_sum3A_222 = vector.extract %reduce_sum3A_221[15] : i32 from vector<16xi32>
        %add3A_223 = arith.addi %scan3A_165, %reduce_sum3A_222 : i32
        %eq3A_224 = arith.constant 3 : i32
        %eq3A_225 = vector.broadcast %eq3A_224 : i32 to vector<16xi32>
        %eq3A_226 = arith.cmpi eq, %gather3A, %eq3A_225 : vector<16xi32>
        %convert_element_type3A_227 = arith.extui %eq3A_226 : vector<16xi1> to vector<16xi32>
        %broadcast_in_dim3A_228 = arith.constant true
        %broadcast_in_dim3A_229 = vector.broadcast %broadcast_in_dim3A_228 : i1 to vector<16xi1>
        %masked_cumsum3A_230 = tpu.scan <sum>, %convert_element_type3A_227 masked %broadcast_in_dim3A_229 : vector<16xi32>, vector<16xi1> -> vector<16xi32>
        %sub3A_231 = arith.constant 1 : i32
        %sub3A_232 = vector.broadcast %sub3A_231 : i32 to vector<16xi32>
        %sub3A_233 = arith.subi %masked_cumsum3A_230, %sub3A_232 : vector<16xi32>
        %add3A_234 = vector.broadcast %scan3A_166 : i32 to vector<16xi32>
        %add3A_235 = arith.addi %add3A_234, %sub3A_233 : vector<16xi32>
        %select_n3A_236 = arith.select %eq3A_226, %add3A_235, %select_n3A_218 : vector<16xi1>, vector<16xi32>
        %reduce_sum3A_237 = arith.constant true
        %reduce_sum3A_238 = vector.broadcast %reduce_sum3A_237 : i1 to vector<16xi1>
        %reduce_sum3A_239 = tpu.scan <sum>, %convert_element_type3A_227 masked %reduce_sum3A_238 : vector<16xi32>, vector<16xi1> -> vector<16xi32>
        %reduce_sum3A_240 = vector.extract %reduce_sum3A_239[15] : i32 from vector<16xi32>
        %add3A_241 = arith.addi %scan3A_166, %reduce_sum3A_240 : i32
        %mul3A_242 = arith.constant 16 : i32
        %mul3A_243 = arith.muli %scan3A_162, %mul3A_242 : i32
        %add3A_244 = vector.broadcast %mul3A_243 : i32 to vector<16xi32>
        %add3A_245 = arith.addi %add3A_244, %iota3A_154 : vector<16xi32>
        tpu.vector_store_idx %arg9[%select_n3A_236], %add3A_245 : memref<4608xi32, #tpu.memory_space<vmem>>[vector<16xi32>], vector<16xi32>,
        tpu.vector_store_idx %arg10[%select_n3A_236], %get3A_169 : memref<4608xi32, #tpu.memory_space<vmem>>[vector<16xi32>], vector<16xi32>,
        scf.yield %add3A_187, %add3A_205, %add3A_223, %add3A_241 : i32, i32, i32, i32
      }
      %scan3A_161 = arith.constant 256 : i32
      "tpu.region"() ({
        %run_scoped3A = tpu.sem_alloc : memref<!tpu.dma_semaphore, #tpu.memory_space<semaphore_mem>>
        tpu.enqueue_dma source(%arg9 : memref<4608xi32, #tpu.memory_space<vmem>>) target(%arg4 : memref<4608xi32, #tpu.memory_space<hbm>>) target_semaphore(%run_scoped3A : memref<!tpu.dma_semaphore, #tpu.memory_space<semaphore_mem>>)
        tpu.wait_dma2 semaphore(%run_scoped3A : memref<!tpu.dma_semaphore, #tpu.memory_space<semaphore_mem>>) src(%arg9 : memref<4608xi32, #tpu.memory_space<vmem>>) dst(%arg4 : memref<4608xi32, #tpu.memory_space<hbm>>)
        tpu.yield
      }) : () -> ()
      "tpu.region"() ({
        %run_scoped3A = tpu.sem_alloc : memref<!tpu.dma_semaphore, #tpu.memory_space<semaphore_mem>>
        tpu.enqueue_dma source(%arg10 : memref<4608xi32, #tpu.memory_space<vmem>>) target(%arg5 : memref<4608xi32, #tpu.memory_space<hbm>>) target_semaphore(%run_scoped3A : memref<!tpu.dma_semaphore, #tpu.memory_space<semaphore_mem>>)
        tpu.wait_dma2 semaphore(%run_scoped3A : memref<!tpu.dma_semaphore, #tpu.memory_space<semaphore_mem>>) src(%arg10 : memref<4608xi32, #tpu.memory_space<vmem>>) dst(%arg5 : memref<4608xi32, #tpu.memory_space<hbm>>)
        tpu.yield
      }) : () -> ()
      "tpu.region"() ({
        %run_scoped3A = tpu.sem_alloc : memref<!tpu.dma_semaphore, #tpu.memory_space<semaphore_mem>>
        tpu.enqueue_dma source(%arg11 : memref<48xi32, #tpu.memory_space<vmem>>) target(%arg6 : memref<48xi32, #tpu.memory_space<hbm>>) target_semaphore(%run_scoped3A : memref<!tpu.dma_semaphore, #tpu.memory_space<semaphore_mem>>)
        tpu.wait_dma2 semaphore(%run_scoped3A : memref<!tpu.dma_semaphore, #tpu.memory_space<semaphore_mem>>) src(%arg11 : memref<48xi32, #tpu.memory_space<vmem>>) dst(%arg6 : memref<48xi32, #tpu.memory_space<hbm>>)
        tpu.yield
      }) : () -> ()
    } else {
    }
    return
  }
}

#map = affine_map<(d0, d1) -> (0, 0)>
#map1 = affine_map<(d0, d1) -> (0)>
module attributes {stable_mosaic.version = 14 : i64} {
  func.func @_gather_body(%arg0: i32, %arg1: i32, %arg2: memref<4096x512xi32, #tpu.memory_space<hbm>>, %arg3: memref<4608xi32, #tpu.memory_space<hbm>>, %arg4: memref<1536x512xi32, #tpu.memory_space<hbm>>, %arg5: memref<48xi32, #tpu.memory_space<vmem>>, %arg6: memref<48x512xi32, #tpu.memory_space<vmem>>, %arg7: memref<48x512xi32, #tpu.memory_space<vmem>>, %arg8: memref<!tpu.dma_semaphore, #tpu.memory_space<semaphore_mem>>, %arg9: memref<!tpu.dma_semaphore, #tpu.memory_space<semaphore_mem>>) attributes {dimension_semantics = [#tpu.dimension_semantics<core_parallel>, #tpu.dimension_semantics<subcore_parallel>], iteration_bounds = array<i64: 2, 16>, scalar_prefetch = 0 : i64, scratch_operands = 5 : i64, tpu.core_type = #tpu.core_type<sc_vector_subcore>, window_params = [{transform_indices = #map}, {transform_indices = #map1}, {transform_indices = #map}]} {
    %mul3A = arith.constant 2 : i32
    %mul3A_0 = arith.muli %arg1, %mul3A : i32
    %add3A = arith.addi %mul3A_0, %arg0 : i32
    %mul3A_1 = arith.constant 48 : i32
    %mul3A_2 = arith.muli %add3A, %mul3A_1 : i32
    %add3A_3 = arith.constant 1536 : i32
    %add3A_4 = arith.addi %add3A_3, %mul3A_2 : i32
    "tpu.region"() ({
      %run_scoped3A = tpu.sem_alloc : memref<!tpu.dma_semaphore, #tpu.memory_space<semaphore_mem>>
      %dma_start3A_15 = tpu.memref_slice %arg3[%add3A_4] : memref<4608xi32, #tpu.memory_space<hbm>> -> memref<48xi32, #tpu.memory_space<hbm>>
      %dma_start3A_16 = tpu.memref_slice %arg3[%add3A_4] : memref<4608xi32, #tpu.memory_space<hbm>> -> memref<48xi32, #tpu.memory_space<hbm>>
      tpu.enqueue_dma source(%dma_start3A_16 : memref<48xi32, #tpu.memory_space<hbm>>) target(%arg5 : memref<48xi32, #tpu.memory_space<vmem>>) target_semaphore(%run_scoped3A : memref<!tpu.dma_semaphore, #tpu.memory_space<semaphore_mem>>)
      %dma_wait3A_17 = tpu.memref_slice %arg3[%add3A_4] : memref<4608xi32, #tpu.memory_space<hbm>> -> memref<48xi32, #tpu.memory_space<hbm>>
      %dma_wait3A_18 = tpu.memref_slice %arg3[%add3A_4] : memref<4608xi32, #tpu.memory_space<hbm>> -> memref<48xi32, #tpu.memory_space<hbm>>
      tpu.wait_dma2 semaphore(%run_scoped3A : memref<!tpu.dma_semaphore, #tpu.memory_space<semaphore_mem>>) src(%dma_wait3A_18 : memref<48xi32, #tpu.memory_space<hbm>>) dst(%arg5 : memref<48xi32, #tpu.memory_space<vmem>>)
      tpu.yield
    }) : () -> ()
    %dma_start3A = arith.constant 0 : i32
    %dma_start3A_5 = tpu.memref_slice %arg5[%dma_start3A] : memref<48xi32, #tpu.memory_space<vmem>> -> memref<48xi32, #tpu.memory_space<vmem>>
    %dma_start3A_6 = arith.constant 0 : i32
    %dma_start3A_7 = arith.constant 0 : i32
    %dma_start3A_8 = tpu.memref_slice %arg2[%dma_start3A_6, %dma_start3A_7] : memref<4096x512xi32, #tpu.memory_space<hbm>> -> memref<4096x512xi32, #tpu.memory_space<hbm>>
    tpu.enqueue_indirect_dma source(%dma_start3A_8 : memref<4096x512xi32, #tpu.memory_space<hbm>>) target(%arg6 : memref<48x512xi32, #tpu.memory_space<vmem>>) offsets(%dma_start3A_5 : memref<48xi32, #tpu.memory_space<vmem>>) semaphore(%arg8 : memref<!tpu.dma_semaphore, #tpu.memory_space<semaphore_mem>>)
    %dma_wait3A = arith.constant 0 : i32
    %dma_wait3A_9 = tpu.memref_slice %arg5[%dma_wait3A] : memref<48xi32, #tpu.memory_space<vmem>> -> memref<48xi32, #tpu.memory_space<vmem>>
    %dma_wait3A_10 = arith.constant 0 : i32
    %dma_wait3A_11 = arith.constant 0 : i32
    %dma_wait3A_12 = tpu.memref_slice %arg2[%dma_wait3A_10, %dma_wait3A_11] : memref<4096x512xi32, #tpu.memory_space<hbm>> -> memref<4096x512xi32, #tpu.memory_space<hbm>>
    tpu.wait_indirect_dma semaphore(%arg8 : memref<!tpu.dma_semaphore, #tpu.memory_space<semaphore_mem>>) src(%dma_wait3A_12 : memref<4096x512xi32, #tpu.memory_space<hbm>>) dst(%arg6 : memref<48x512xi32, #tpu.memory_space<vmem>>)
    %add3A_13 = arith.constant 0 : i32
    %add3A_14 = arith.addi %mul3A_2, %add3A_13 : i32
    "tpu.region"() ({
      %run_scoped3A = tpu.sem_alloc : memref<!tpu.dma_semaphore, #tpu.memory_space<semaphore_mem>>
      %dma_start3A_15 = arith.constant 0 : i32
      %dma_start3A_16 = tpu.memref_slice %arg4[%add3A_14, %dma_start3A_15] : memref<1536x512xi32, #tpu.memory_space<hbm>> -> memref<48x512xi32, #tpu.memory_space<hbm>>
      %dma_start3A_17 = arith.constant 0 : i32
      %dma_start3A_18 = tpu.memref_slice %arg4[%add3A_14, %dma_start3A_17] : memref<1536x512xi32, #tpu.memory_space<hbm>> -> memref<48x512xi32, #tpu.memory_space<hbm>>
      tpu.enqueue_dma source(%arg6 : memref<48x512xi32, #tpu.memory_space<vmem>>) target(%dma_start3A_18 : memref<48x512xi32, #tpu.memory_space<hbm>>) target_semaphore(%run_scoped3A : memref<!tpu.dma_semaphore, #tpu.memory_space<semaphore_mem>>)
      %dma_wait3A_19 = arith.constant 0 : i32
      %dma_wait3A_20 = tpu.memref_slice %arg4[%add3A_14, %dma_wait3A_19] : memref<1536x512xi32, #tpu.memory_space<hbm>> -> memref<48x512xi32, #tpu.memory_space<hbm>>
      %dma_wait3A_21 = arith.constant 0 : i32
      %dma_wait3A_22 = tpu.memref_slice %arg4[%add3A_14, %dma_wait3A_21] : memref<1536x512xi32, #tpu.memory_space<hbm>> -> memref<48x512xi32, #tpu.memory_space<hbm>>
      tpu.wait_dma2 semaphore(%run_scoped3A : memref<!tpu.dma_semaphore, #tpu.memory_space<semaphore_mem>>) src(%arg6 : memref<48x512xi32, #tpu.memory_space<vmem>>) dst(%dma_wait3A_22 : memref<48x512xi32, #tpu.memory_space<hbm>>)
      tpu.yield
    }) : () -> ()
    return
  }
}

module attributes {stable_mosaic.version = 14 : i64} {
  func.func @_mlp_tile_kernel(%arg0: i32, %arg1: memref<48xi32, #tpu.memory_space<smem>>, %arg2: memref<128x512xi32, #tpu.memory_space<vmem>>, %arg3: memref<1x1024x1024xf32, #tpu.memory_space<vmem>>, %arg4: memref<1x1x1024xf32, #tpu.memory_space<vmem>>, %arg5: memref<1x1x1024xf32, #tpu.memory_space<vmem>>, %arg6: memref<4x1xf32, #tpu.memory_space<smem>>, %arg7: memref<128x1xi32, #tpu.memory_space<vmem>>, %arg8: memref<1x128xi32, #tpu.memory_space<vmem>>, %arg9: memref<4x128xf32, #tpu.memory_space<vmem>>) attributes {dimension_semantics = [#tpu.dimension_semantics<arbitrary>], iteration_bounds = array<i64: 12>, scalar_prefetch = 1 : i64, scratch_operands = 0 : i64, tpu.core_type = #tpu.core_type<tc>, window_params = [{transform_indices = @transform_0, window_bounds = array<i64: 128, 512>}, {transform_indices = @transform_1, window_bounds = array<i64: 1, 1024, 1024>}, {transform_indices = @transform_2, window_bounds = array<i64: 1, 1, 1024>}, {transform_indices = @transform_3, window_bounds = array<i64: 1, 1, 1024>}, {transform_indices = @transform_4, window_bounds = array<i64: 4, 1>}, {transform_indices = @transform_5, window_bounds = array<i64: 128, 1>}, {pipeline_mode = #tpu.pipeline_mode<synchronous>, transform_indices = @transform_6, window_bounds = array<i64: 1, 128>}, {pipeline_mode = #tpu.pipeline_mode<synchronous>, transform_indices = @transform_7, window_bounds = array<i64: 4, 128>}]} {
    %add3A = arith.constant 24 : i32
    %add3A_0 = arith.addi %arg0, %add3A : i32
    %eq3A = arith.constant 0 : i32
    %eq3A_1 = arith.cmpi eq, %arg0, %eq3A : i32
    %convert_element_type3A = arith.extui %eq3A_1 : i1 to i32
    %cond3A = arith.constant 0 : i32
    %cond3A_2 = arith.cmpi ne, %convert_element_type3A, %cond3A : i32
    scf.if %cond3A_2 {
      %broadcast_in_dim3A_84 = arith.constant 0.000000e+00 : f32
      %broadcast_in_dim3A_85 = vector.broadcast %broadcast_in_dim3A_84 : f32 to vector<4x128xf32>
      %swap3A_86 = arith.constant 0 : index
      %swap3A_87 = arith.constant 0 : index
      %swap3A_88 = vector.load %arg9[%swap3A_86, %swap3A_87] : memref<4x128xf32, #tpu.memory_space<vmem>>, vector<4x128xf32>
      tpu.vector_store %arg9[%swap3A_86, %swap3A_87], %broadcast_in_dim3A_85 {strides = array<i32>} : memref<4x128xf32, #tpu.memory_space<vmem>>, vector<4x128xf32>,
    } else {
    }
    %get3A = arith.constant 0 : index
    %get3A_3 = arith.constant 0 : index
    %get3A_4 = vector.load %arg2[%get3A, %get3A_3] : memref<128x512xi32, #tpu.memory_space<vmem>>, vector<128x512xi32>
    %shift_left3A = arith.constant 16 : i32
    %shift_left3A_5 = vector.broadcast %shift_left3A : i32 to vector<128x512xi32>
    %shift_left3A_6 = arith.shli %get3A_4, %shift_left3A_5 : vector<128x512xi32>
    %bitcast_convert_type3A = tpu.bitcast %shift_left3A_6 : vector<128x512xi32> -> vector<128x512xf32>
    %convert_element_type3A_7 = arith.truncf %bitcast_convert_type3A : vector<128x512xf32> to vector<128x512xbf16>
    %and3A = arith.constant -65536 : i32
    %and3A_8 = vector.broadcast %and3A : i32 to vector<128x512xi32>
    %and3A_9 = arith.andi %get3A_4, %and3A_8 : vector<128x512xi32>
    %bitcast_convert_type3A_10 = tpu.bitcast %and3A_9 : vector<128x512xi32> -> vector<128x512xf32>
    %convert_element_type3A_11 = arith.truncf %bitcast_convert_type3A_10 : vector<128x512xf32> to vector<128x512xbf16>
    %get3A_12 = arith.constant 0 : index
    %get3A_13 = arith.constant 0 : index
    %get3A_14 = arith.constant 0 : index
    %get3A_15 = vector.load %arg3[%get3A_12, %get3A_13, %get3A_14] : memref<1x1024x1024xf32, #tpu.memory_space<vmem>>, vector<1x1024x1024xf32>
    %get3A_16 = vector.shape_cast %get3A_15 : vector<1x1024x1024xf32> to vector<1024x1024xf32>
    %convert_element_type3A_17 = arith.truncf %get3A_16 : vector<1024x1024xf32> to vector<1024x1024xbf16>
    %slice3A = vector.extract_strided_slice %convert_element_type3A_17 {offsets = [0, 0], sizes = [512, 1024], strides = [1, 1]} : vector<1024x1024xbf16> to vector<512x1024xbf16>
    %dot_general3A = arith.constant dense<0.000000e+00> : vector<128x1024xf32>
    %dot_general3A_18 = tpu.matmul %convert_element_type3A_7, %slice3A, %dot_general3A {dimension_numbers = #tpu.dot_dimension_numbers<[1], [0], [0], [1], [0, 0, 1, 1], [], []>, transpose_lhs_hint = false} : vector<128x512xbf16>, vector<512x1024xbf16>, vector<128x1024xf32> -> vector<128x1024xf32>
    %slice3A_19 = vector.extract_strided_slice %convert_element_type3A_17 {offsets = [512, 0], sizes = [512, 1024], strides = [1, 1]} : vector<1024x1024xbf16> to vector<512x1024xbf16>
    %dot_general3A_20 = arith.constant dense<0.000000e+00> : vector<128x1024xf32>
    %dot_general3A_21 = tpu.matmul %convert_element_type3A_11, %slice3A_19, %dot_general3A_20 {dimension_numbers = #tpu.dot_dimension_numbers<[1], [0], [0], [1], [0, 0, 1, 1], [], []>, transpose_lhs_hint = false} : vector<128x512xbf16>, vector<512x1024xbf16>, vector<128x1024xf32> -> vector<128x1024xf32>
    %add3A_22 = arith.addf %dot_general3A_18, %dot_general3A_21 : vector<128x1024xf32>
    %get3A_23 = arith.constant 0 : index
    %get3A_24 = arith.constant 0 : index
    %get3A_25 = arith.constant 0 : index
    %get3A_26 = vector.load %arg4[%get3A_23, %get3A_24, %get3A_25] : memref<1x1x1024xf32, #tpu.memory_space<vmem>>, vector<1x1x1024xf32>
    %get3A_27 = vector.shape_cast %get3A_26 : vector<1x1x1024xf32> to vector<1x1024xf32>
    %add3A_28 = vector.broadcast %get3A_27 : vector<1x1024xf32> to vector<128x1024xf32>
    %add3A_29 = arith.addf %add3A_22, %add3A_28 : vector<128x1024xf32>
    %integer_pow3A = arith.mulf %add3A_29, %add3A_29 : vector<128x1024xf32>
    %integer_pow3A_30 = arith.mulf %add3A_29, %integer_pow3A : vector<128x1024xf32>
    %mul3A = arith.constant 4.471500e-02 : f32
    %mul3A_31 = vector.broadcast %mul3A : f32 to vector<128x1024xf32>
    %mul3A_32 = arith.mulf %mul3A_31, %integer_pow3A_30 : vector<128x1024xf32>
    %add3A_33 = arith.addf %add3A_29, %mul3A_32 : vector<128x1024xf32>
    %mul3A_34 = arith.constant 0.797884583 : f32
    %mul3A_35 = vector.broadcast %mul3A_34 : f32 to vector<128x1024xf32>
    %mul3A_36 = arith.mulf %mul3A_35, %add3A_33 : vector<128x1024xf32>
    %tanh3A = math.tanh %mul3A_36 : vector<128x1024xf32>
    %add3A_37 = arith.constant 1.000000e+00 : f32
    %add3A_38 = vector.broadcast %add3A_37 : f32 to vector<128x1024xf32>
    %add3A_39 = arith.addf %add3A_38, %tanh3A : vector<128x1024xf32>
    %mul3A_40 = arith.constant 5.000000e-01 : f32
    %mul3A_41 = vector.broadcast %mul3A_40 : f32 to vector<128x1024xf32>
    %mul3A_42 = arith.mulf %mul3A_41, %add3A_39 : vector<128x1024xf32>
    %mul3A_43 = arith.mulf %add3A_29, %mul3A_42 : vector<128x1024xf32>
    %get3A_44 = arith.constant 0 : index
    %get3A_45 = arith.constant 0 : index
    %get3A_46 = arith.constant 0 : index
    %get3A_47 = vector.load %arg5[%get3A_44, %get3A_45, %get3A_46] : memref<1x1x1024xf32, #tpu.memory_space<vmem>>, vector<1x1x1024xf32>
    %get3A_48 = vector.shape_cast %get3A_47 : vector<1x1x1024xf32> to vector<1x1024xf32>
    %mul3A_49 = vector.broadcast %get3A_48 : vector<1x1024xf32> to vector<128x1024xf32>
    %mul3A_50 = arith.mulf %mul3A_43, %mul3A_49 : vector<128x1024xf32>
    %reduce_sum3A = arith.constant dense<0.000000e+00> : vector<128xf32>
    %reduce_sum3A_51 = vector.multi_reduction <add>, %mul3A_50, %reduce_sum3A [1] : vector<128x1024xf32> to vector<128xf32>
    %broadcast_in_dim3A = vector.shape_cast %reduce_sum3A_51 : vector<128xf32> to vector<128x1xf32>
    %get3A_52 = arith.index_cast %add3A_0 : i32 to index
    %get3A_53 = memref.load %arg1[%get3A_52] : memref<48xi32, #tpu.memory_space<smem>>
    %get3A_54 = arith.index_cast %get3A_53 : i32 to index
    %get3A_55 = arith.constant 0 : index
    %get3A_56 = memref.load %arg6[%get3A_54, %get3A_55] : memref<4x1xf32, #tpu.memory_space<smem>>
    %add3A_57 = vector.broadcast %get3A_56 : f32 to vector<128x1xf32>
    %add3A_58 = arith.addf %broadcast_in_dim3A, %add3A_57 : vector<128x1xf32>
    %get3A_59 = arith.constant 0 : index
    %get3A_60 = arith.constant 0 : index
    %get3A_61 = vector.load %arg7[%get3A_59, %get3A_60] : memref<128x1xi32, #tpu.memory_space<vmem>>, vector<128x1xi32>
    %iota3A = tpu.iota {dimensions = array<i32: 1>} : vector<128x128xi32>
    %eq3A_62 = vector.broadcast %get3A_61 : vector<128x1xi32> to vector<128x128xi32>
    %eq3A_63 = arith.cmpi eq, %eq3A_62, %iota3A : vector<128x128xi32>
    %convert_element_type3A_64 = arith.extui %eq3A_63 : vector<128x128xi1> to vector<128x128xi32>
    %convert_element_type3A_65 = arith.sitofp %convert_element_type3A_64 : vector<128x128xi32> to vector<128x128xf32>
    %dot_general3A_66 = arith.constant dense<0.000000e+00> : vector<1x128xf32>
    %dot_general3A_67 = tpu.matmul %add3A_58, %convert_element_type3A_65, %dot_general3A_66 {dimension_numbers = #tpu.dot_dimension_numbers<[0], [0], [1], [1], [0, 1, 1, 1], [], []>, transpose_lhs_hint = false} : vector<128x1xf32>, vector<128x128xf32>, vector<1x128xf32> -> vector<1x128xf32>
    %get3A_68 = arith.constant 0 : index
    %get3A_69 = arith.constant 0 : index
    %get3A_70 = vector.load %arg8[%get3A_68, %get3A_69] : memref<1x128xi32, #tpu.memory_space<vmem>>, vector<1x128xi32>
    %iota3A_71 = tpu.iota {dimensions = array<i32: 0>} : vector<4x128xi32>
    %eq3A_72 = vector.broadcast %get3A_70 : vector<1x128xi32> to vector<4x128xi32>
    %eq3A_73 = arith.cmpi eq, %eq3A_72, %iota3A_71 : vector<4x128xi32>
    %convert_element_type3A_74 = arith.extui %eq3A_73 : vector<4x128xi1> to vector<4x128xi32>
    %convert_element_type3A_75 = arith.sitofp %convert_element_type3A_74 : vector<4x128xi32> to vector<4x128xf32>
    %get3A_76 = arith.constant 0 : index
    %get3A_77 = arith.constant 0 : index
    %get3A_78 = vector.load %arg9[%get3A_76, %get3A_77] : memref<4x128xf32, #tpu.memory_space<vmem>>, vector<4x128xf32>
    %mul3A_79 = vector.broadcast %dot_general3A_67 : vector<1x128xf32> to vector<4x128xf32>
    %mul3A_80 = arith.mulf %convert_element_type3A_75, %mul3A_79 : vector<4x128xf32>
    %add3A_81 = arith.addf %get3A_78, %mul3A_80 : vector<4x128xf32>
    %swap3A = arith.constant 0 : index
    %swap3A_82 = arith.constant 0 : index
    %swap3A_83 = vector.load %arg9[%swap3A, %swap3A_82] : memref<4x128xf32, #tpu.memory_space<vmem>>, vector<4x128xf32>
    tpu.vector_store %arg9[%swap3A, %swap3A_82], %add3A_81 {strides = array<i32>} : memref<4x128xf32, #tpu.memory_space<vmem>>, vector<4x128xf32>,
    return
  }
  func.func @transform_0(%arg0: i32, %arg1: memref<48xi32, #tpu.memory_space<smem>>) -> (i32, i32) {
    %c0_i32 = arith.constant 0 : i32
    %c0_i32_0 = arith.constant 0 : i32
    return %arg0, %c0_i32 : i32, i32
  }
  func.func @transform_1(%arg0: i32, %arg1: memref<48xi32, #tpu.memory_space<smem>>) -> (i32, i32, i32) {
    %add3A = arith.constant 24 : i32
    %add3A_0 = arith.addi %arg0, %add3A : i32
    %get3A = arith.index_cast %add3A_0 : i32 to index
    %get3A_1 = memref.load %arg1[%get3A] : memref<48xi32, #tpu.memory_space<smem>>
    %c0_i32 = arith.constant 0 : i32
    %c0_i32_2 = arith.constant 0 : i32
    %c0_i32_3 = arith.constant 0 : i32
    return %get3A_1, %c0_i32, %c0_i32_2 : i32, i32, i32
  }
  func.func @transform_2(%arg0: i32, %arg1: memref<48xi32, #tpu.memory_space<smem>>) -> (i32, i32, i32) {
    %add3A = arith.constant 24 : i32
    %add3A_0 = arith.addi %arg0, %add3A : i32
    %get3A = arith.index_cast %add3A_0 : i32 to index
    %get3A_1 = memref.load %arg1[%get3A] : memref<48xi32, #tpu.memory_space<smem>>
    %c0_i32 = arith.constant 0 : i32
    %c0_i32_2 = arith.constant 0 : i32
    %c0_i32_3 = arith.constant 0 : i32
    return %get3A_1, %c0_i32, %c0_i32_2 : i32, i32, i32
  }
  func.func @transform_3(%arg0: i32, %arg1: memref<48xi32, #tpu.memory_space<smem>>) -> (i32, i32, i32) {
    %add3A = arith.constant 24 : i32
    %add3A_0 = arith.addi %arg0, %add3A : i32
    %get3A = arith.index_cast %add3A_0 : i32 to index
    %get3A_1 = memref.load %arg1[%get3A] : memref<48xi32, #tpu.memory_space<smem>>
    %c0_i32 = arith.constant 0 : i32
    %c0_i32_2 = arith.constant 0 : i32
    %c0_i32_3 = arith.constant 0 : i32
    return %get3A_1, %c0_i32, %c0_i32_2 : i32, i32, i32
  }
  func.func @transform_4(%arg0: i32, %arg1: memref<48xi32, #tpu.memory_space<smem>>) -> (i32, i32) {
    %c0_i32 = arith.constant 0 : i32
    %c0_i32_0 = arith.constant 0 : i32
    %c0_i32_1 = arith.constant 0 : i32
    return %c0_i32, %c0_i32_0 : i32, i32
  }
  func.func @transform_5(%arg0: i32, %arg1: memref<48xi32, #tpu.memory_space<smem>>) -> (i32, i32) {
    %add3A = arith.constant 24 : i32
    %add3A_0 = arith.addi %arg0, %add3A : i32
    %c0_i32 = arith.constant 0 : i32
    %c0_i32_1 = arith.constant 0 : i32
    return %add3A_0, %c0_i32 : i32, i32
  }
  func.func @transform_6(%arg0: i32, %arg1: memref<48xi32, #tpu.memory_space<smem>>) -> (i32, i32) {
    %c0_i32 = arith.constant 0 : i32
    %c0_i32_0 = arith.constant 0 : i32
    %c0_i32_1 = arith.constant 0 : i32
    return %c0_i32, %c0_i32_0 : i32, i32
  }
  func.func @transform_7(%arg0: i32, %arg1: memref<48xi32, #tpu.memory_space<smem>>) -> (i32, i32) {
    %c0_i32 = arith.constant 0 : i32
    %c0_i32_0 = arith.constant 0 : i32
    %c0_i32_1 = arith.constant 0 : i32
    return %c0_i32, %c0_i32_0 : i32, i32
  }
}

module attributes {stable_mosaic.version = 14 : i64} {
  func.func @_pack_kernel(%arg0: i32, %arg1: memref<512x1024xf32, #tpu.memory_space<vmem>>, %arg2: memref<512x512xi32, #tpu.memory_space<vmem>>) attributes {dimension_semantics = [#tpu.dimension_semantics<arbitrary>], iteration_bounds = array<i64: 8>, scalar_prefetch = 0 : i64, scratch_operands = 0 : i64, tpu.core_type = #tpu.core_type<tc>, window_params = [{transform_indices = @transform_0, window_bounds = array<i64: 512, 1024>}, {transform_indices = @transform_1, window_bounds = array<i64: 512, 512>}]} {
    %get3A = arith.constant 0 : index
    %get3A_0 = arith.constant 0 : index
    %get3A_1 = vector.load %arg1[%get3A, %get3A_0] : memref<512x1024xf32, #tpu.memory_space<vmem>>, vector<512x512xf32>
    %bitcast_convert_type3A = tpu.bitcast %get3A_1 : vector<512x512xf32> -> vector<512x512xi32>
    %get3A_2 = arith.constant 0 : index
    %get3A_3 = arith.constant 512 : index
    %get3A_4 = vector.load %arg1[%get3A_2, %get3A_3] : memref<512x1024xf32, #tpu.memory_space<vmem>>, vector<512x512xf32>
    %bitcast_convert_type3A_5 = tpu.bitcast %get3A_4 : vector<512x512xf32> -> vector<512x512xi32>
    %add3A = arith.constant 32768 : i32
    %add3A_6 = vector.broadcast %add3A : i32 to vector<512x512xi32>
    %add3A_7 = arith.addi %bitcast_convert_type3A, %add3A_6 : vector<512x512xi32>
    %shift_right_logical3A = arith.constant 16 : i32
    %shift_right_logical3A_8 = vector.broadcast %shift_right_logical3A : i32 to vector<512x512xi32>
    %shift_right_logical3A_9 = arith.shrui %add3A_7, %shift_right_logical3A_8 : vector<512x512xi32>
    %add3A_10 = arith.constant 32768 : i32
    %add3A_11 = vector.broadcast %add3A_10 : i32 to vector<512x512xi32>
    %add3A_12 = arith.addi %bitcast_convert_type3A_5, %add3A_11 : vector<512x512xi32>
    %and3A = arith.constant -65536 : i32
    %and3A_13 = vector.broadcast %and3A : i32 to vector<512x512xi32>
    %and3A_14 = arith.andi %add3A_12, %and3A_13 : vector<512x512xi32>
    %or3A = arith.ori %shift_right_logical3A_9, %and3A_14 : vector<512x512xi32>
    %swap3A = arith.constant 0 : index
    %swap3A_15 = arith.constant 0 : index
    %swap3A_16 = vector.load %arg2[%swap3A, %swap3A_15] : memref<512x512xi32, #tpu.memory_space<vmem>>, vector<512x512xi32>
    tpu.vector_store %arg2[%swap3A, %swap3A_15], %or3A {strides = array<i32>} : memref<512x512xi32, #tpu.memory_space<vmem>>, vector<512x512xi32>,
    return
  }
  func.func @transform_0(%arg0: i32) -> (i32, i32) {
    %c0_i32 = arith.constant 0 : i32
    %c0_i32_0 = arith.constant 0 : i32
    return %arg0, %c0_i32 : i32, i32
  }
  func.func @transform_1(%arg0: i32) -> (i32, i32) {
    %c0_i32 = arith.constant 0 : i32
    %c0_i32_0 = arith.constant 0 : i32
    return %arg0, %c0_i32 : i32, i32
  }
}

module attributes {stable_mosaic.version = 14 : i64} {
  func.func @_mlp_tile_kernel(%arg0: i32, %arg1: memref<48xi32, #tpu.memory_space<smem>>, %arg2: memref<128x512xi32, #tpu.memory_space<vmem>>, %arg3: memref<1x1024x1024xf32, #tpu.memory_space<vmem>>, %arg4: memref<1x1x1024xf32, #tpu.memory_space<vmem>>, %arg5: memref<1x1x1024xf32, #tpu.memory_space<vmem>>, %arg6: memref<4x1xf32, #tpu.memory_space<smem>>, %arg7: memref<128x1xi32, #tpu.memory_space<vmem>>, %arg8: memref<1x128xi32, #tpu.memory_space<vmem>>, %arg9: memref<4x128xf32, #tpu.memory_space<vmem>>) attributes {dimension_semantics = [#tpu.dimension_semantics<arbitrary>], iteration_bounds = array<i64: 12>, scalar_prefetch = 1 : i64, scratch_operands = 0 : i64, tpu.core_type = #tpu.core_type<tc>, window_params = [{transform_indices = @transform_0, window_bounds = array<i64: 128, 512>}, {transform_indices = @transform_1, window_bounds = array<i64: 1, 1024, 1024>}, {transform_indices = @transform_2, window_bounds = array<i64: 1, 1, 1024>}, {transform_indices = @transform_3, window_bounds = array<i64: 1, 1, 1024>}, {transform_indices = @transform_4, window_bounds = array<i64: 4, 1>}, {transform_indices = @transform_5, window_bounds = array<i64: 128, 1>}, {pipeline_mode = #tpu.pipeline_mode<synchronous>, transform_indices = @transform_6, window_bounds = array<i64: 1, 128>}, {pipeline_mode = #tpu.pipeline_mode<synchronous>, transform_indices = @transform_7, window_bounds = array<i64: 4, 128>}]} {
    %add3A = arith.constant 12 : i32
    %add3A_0 = arith.addi %arg0, %add3A : i32
    %eq3A = arith.constant 0 : i32
    %eq3A_1 = arith.cmpi eq, %arg0, %eq3A : i32
    %convert_element_type3A = arith.extui %eq3A_1 : i1 to i32
    %cond3A = arith.constant 0 : i32
    %cond3A_2 = arith.cmpi ne, %convert_element_type3A, %cond3A : i32
    scf.if %cond3A_2 {
      %broadcast_in_dim3A_84 = arith.constant 0.000000e+00 : f32
      %broadcast_in_dim3A_85 = vector.broadcast %broadcast_in_dim3A_84 : f32 to vector<4x128xf32>
      %swap3A_86 = arith.constant 0 : index
      %swap3A_87 = arith.constant 0 : index
      %swap3A_88 = vector.load %arg9[%swap3A_86, %swap3A_87] : memref<4x128xf32, #tpu.memory_space<vmem>>, vector<4x128xf32>
      tpu.vector_store %arg9[%swap3A_86, %swap3A_87], %broadcast_in_dim3A_85 {strides = array<i32>} : memref<4x128xf32, #tpu.memory_space<vmem>>, vector<4x128xf32>,
    } else {
    }
    %get3A = arith.constant 0 : index
    %get3A_3 = arith.constant 0 : index
    %get3A_4 = vector.load %arg2[%get3A, %get3A_3] : memref<128x512xi32, #tpu.memory_space<vmem>>, vector<128x512xi32>
    %shift_left3A = arith.constant 16 : i32
    %shift_left3A_5 = vector.broadcast %shift_left3A : i32 to vector<128x512xi32>
    %shift_left3A_6 = arith.shli %get3A_4, %shift_left3A_5 : vector<128x512xi32>
    %bitcast_convert_type3A = tpu.bitcast %shift_left3A_6 : vector<128x512xi32> -> vector<128x512xf32>
    %convert_element_type3A_7 = arith.truncf %bitcast_convert_type3A : vector<128x512xf32> to vector<128x512xbf16>
    %and3A = arith.constant -65536 : i32
    %and3A_8 = vector.broadcast %and3A : i32 to vector<128x512xi32>
    %and3A_9 = arith.andi %get3A_4, %and3A_8 : vector<128x512xi32>
    %bitcast_convert_type3A_10 = tpu.bitcast %and3A_9 : vector<128x512xi32> -> vector<128x512xf32>
    %convert_element_type3A_11 = arith.truncf %bitcast_convert_type3A_10 : vector<128x512xf32> to vector<128x512xbf16>
    %get3A_12 = arith.constant 0 : index
    %get3A_13 = arith.constant 0 : index
    %get3A_14 = arith.constant 0 : index
    %get3A_15 = vector.load %arg3[%get3A_12, %get3A_13, %get3A_14] : memref<1x1024x1024xf32, #tpu.memory_space<vmem>>, vector<1x1024x1024xf32>
    %get3A_16 = vector.shape_cast %get3A_15 : vector<1x1024x1024xf32> to vector<1024x1024xf32>
    %convert_element_type3A_17 = arith.truncf %get3A_16 : vector<1024x1024xf32> to vector<1024x1024xbf16>
    %slice3A = vector.extract_strided_slice %convert_element_type3A_17 {offsets = [0, 0], sizes = [512, 1024], strides = [1, 1]} : vector<1024x1024xbf16> to vector<512x1024xbf16>
    %dot_general3A = arith.constant dense<0.000000e+00> : vector<128x1024xf32>
    %dot_general3A_18 = tpu.matmul %convert_element_type3A_7, %slice3A, %dot_general3A {dimension_numbers = #tpu.dot_dimension_numbers<[1], [0], [0], [1], [0, 0, 1, 1], [], []>, transpose_lhs_hint = false} : vector<128x512xbf16>, vector<512x1024xbf16>, vector<128x1024xf32> -> vector<128x1024xf32>
    %slice3A_19 = vector.extract_strided_slice %convert_element_type3A_17 {offsets = [512, 0], sizes = [512, 1024], strides = [1, 1]} : vector<1024x1024xbf16> to vector<512x1024xbf16>
    %dot_general3A_20 = arith.constant dense<0.000000e+00> : vector<128x1024xf32>
    %dot_general3A_21 = tpu.matmul %convert_element_type3A_11, %slice3A_19, %dot_general3A_20 {dimension_numbers = #tpu.dot_dimension_numbers<[1], [0], [0], [1], [0, 0, 1, 1], [], []>, transpose_lhs_hint = false} : vector<128x512xbf16>, vector<512x1024xbf16>, vector<128x1024xf32> -> vector<128x1024xf32>
    %add3A_22 = arith.addf %dot_general3A_18, %dot_general3A_21 : vector<128x1024xf32>
    %get3A_23 = arith.constant 0 : index
    %get3A_24 = arith.constant 0 : index
    %get3A_25 = arith.constant 0 : index
    %get3A_26 = vector.load %arg4[%get3A_23, %get3A_24, %get3A_25] : memref<1x1x1024xf32, #tpu.memory_space<vmem>>, vector<1x1x1024xf32>
    %get3A_27 = vector.shape_cast %get3A_26 : vector<1x1x1024xf32> to vector<1x1024xf32>
    %add3A_28 = vector.broadcast %get3A_27 : vector<1x1024xf32> to vector<128x1024xf32>
    %add3A_29 = arith.addf %add3A_22, %add3A_28 : vector<128x1024xf32>
    %integer_pow3A = arith.mulf %add3A_29, %add3A_29 : vector<128x1024xf32>
    %integer_pow3A_30 = arith.mulf %add3A_29, %integer_pow3A : vector<128x1024xf32>
    %mul3A = arith.constant 4.471500e-02 : f32
    %mul3A_31 = vector.broadcast %mul3A : f32 to vector<128x1024xf32>
    %mul3A_32 = arith.mulf %mul3A_31, %integer_pow3A_30 : vector<128x1024xf32>
    %add3A_33 = arith.addf %add3A_29, %mul3A_32 : vector<128x1024xf32>
    %mul3A_34 = arith.constant 0.797884583 : f32
    %mul3A_35 = vector.broadcast %mul3A_34 : f32 to vector<128x1024xf32>
    %mul3A_36 = arith.mulf %mul3A_35, %add3A_33 : vector<128x1024xf32>
    %tanh3A = math.tanh %mul3A_36 : vector<128x1024xf32>
    %add3A_37 = arith.constant 1.000000e+00 : f32
    %add3A_38 = vector.broadcast %add3A_37 : f32 to vector<128x1024xf32>
    %add3A_39 = arith.addf %add3A_38, %tanh3A : vector<128x1024xf32>
    %mul3A_40 = arith.constant 5.000000e-01 : f32
    %mul3A_41 = vector.broadcast %mul3A_40 : f32 to vector<128x1024xf32>
    %mul3A_42 = arith.mulf %mul3A_41, %add3A_39 : vector<128x1024xf32>
    %mul3A_43 = arith.mulf %add3A_29, %mul3A_42 : vector<128x1024xf32>
    %get3A_44 = arith.constant 0 : index
    %get3A_45 = arith.constant 0 : index
    %get3A_46 = arith.constant 0 : index
    %get3A_47 = vector.load %arg5[%get3A_44, %get3A_45, %get3A_46] : memref<1x1x1024xf32, #tpu.memory_space<vmem>>, vector<1x1x1024xf32>
    %get3A_48 = vector.shape_cast %get3A_47 : vector<1x1x1024xf32> to vector<1x1024xf32>
    %mul3A_49 = vector.broadcast %get3A_48 : vector<1x1024xf32> to vector<128x1024xf32>
    %mul3A_50 = arith.mulf %mul3A_43, %mul3A_49 : vector<128x1024xf32>
    %reduce_sum3A = arith.constant dense<0.000000e+00> : vector<128xf32>
    %reduce_sum3A_51 = vector.multi_reduction <add>, %mul3A_50, %reduce_sum3A [1] : vector<128x1024xf32> to vector<128xf32>
    %broadcast_in_dim3A = vector.shape_cast %reduce_sum3A_51 : vector<128xf32> to vector<128x1xf32>
    %get3A_52 = arith.index_cast %add3A_0 : i32 to index
    %get3A_53 = memref.load %arg1[%get3A_52] : memref<48xi32, #tpu.memory_space<smem>>
    %get3A_54 = arith.index_cast %get3A_53 : i32 to index
    %get3A_55 = arith.constant 0 : index
    %get3A_56 = memref.load %arg6[%get3A_54, %get3A_55] : memref<4x1xf32, #tpu.memory_space<smem>>
    %add3A_57 = vector.broadcast %get3A_56 : f32 to vector<128x1xf32>
    %add3A_58 = arith.addf %broadcast_in_dim3A, %add3A_57 : vector<128x1xf32>
    %get3A_59 = arith.constant 0 : index
    %get3A_60 = arith.constant 0 : index
    %get3A_61 = vector.load %arg7[%get3A_59, %get3A_60] : memref<128x1xi32, #tpu.memory_space<vmem>>, vector<128x1xi32>
    %iota3A = tpu.iota {dimensions = array<i32: 1>} : vector<128x128xi32>
    %eq3A_62 = vector.broadcast %get3A_61 : vector<128x1xi32> to vector<128x128xi32>
    %eq3A_63 = arith.cmpi eq, %eq3A_62, %iota3A : vector<128x128xi32>
    %convert_element_type3A_64 = arith.extui %eq3A_63 : vector<128x128xi1> to vector<128x128xi32>
    %convert_element_type3A_65 = arith.sitofp %convert_element_type3A_64 : vector<128x128xi32> to vector<128x128xf32>
    %dot_general3A_66 = arith.constant dense<0.000000e+00> : vector<1x128xf32>
    %dot_general3A_67 = tpu.matmul %add3A_58, %convert_element_type3A_65, %dot_general3A_66 {dimension_numbers = #tpu.dot_dimension_numbers<[0], [0], [1], [1], [0, 1, 1, 1], [], []>, transpose_lhs_hint = false} : vector<128x1xf32>, vector<128x128xf32>, vector<1x128xf32> -> vector<1x128xf32>
    %get3A_68 = arith.constant 0 : index
    %get3A_69 = arith.constant 0 : index
    %get3A_70 = vector.load %arg8[%get3A_68, %get3A_69] : memref<1x128xi32, #tpu.memory_space<vmem>>, vector<1x128xi32>
    %iota3A_71 = tpu.iota {dimensions = array<i32: 0>} : vector<4x128xi32>
    %eq3A_72 = vector.broadcast %get3A_70 : vector<1x128xi32> to vector<4x128xi32>
    %eq3A_73 = arith.cmpi eq, %eq3A_72, %iota3A_71 : vector<4x128xi32>
    %convert_element_type3A_74 = arith.extui %eq3A_73 : vector<4x128xi1> to vector<4x128xi32>
    %convert_element_type3A_75 = arith.sitofp %convert_element_type3A_74 : vector<4x128xi32> to vector<4x128xf32>
    %get3A_76 = arith.constant 0 : index
    %get3A_77 = arith.constant 0 : index
    %get3A_78 = vector.load %arg9[%get3A_76, %get3A_77] : memref<4x128xf32, #tpu.memory_space<vmem>>, vector<4x128xf32>
    %mul3A_79 = vector.broadcast %dot_general3A_67 : vector<1x128xf32> to vector<4x128xf32>
    %mul3A_80 = arith.mulf %convert_element_type3A_75, %mul3A_79 : vector<4x128xf32>
    %add3A_81 = arith.addf %get3A_78, %mul3A_80 : vector<4x128xf32>
    %swap3A = arith.constant 0 : index
    %swap3A_82 = arith.constant 0 : index
    %swap3A_83 = vector.load %arg9[%swap3A, %swap3A_82] : memref<4x128xf32, #tpu.memory_space<vmem>>, vector<4x128xf32>
    tpu.vector_store %arg9[%swap3A, %swap3A_82], %add3A_81 {strides = array<i32>} : memref<4x128xf32, #tpu.memory_space<vmem>>, vector<4x128xf32>,
    return
  }
  func.func @transform_0(%arg0: i32, %arg1: memref<48xi32, #tpu.memory_space<smem>>) -> (i32, i32) {
    %c0_i32 = arith.constant 0 : i32
    %c0_i32_0 = arith.constant 0 : i32
    return %arg0, %c0_i32 : i32, i32
  }
  func.func @transform_1(%arg0: i32, %arg1: memref<48xi32, #tpu.memory_space<smem>>) -> (i32, i32, i32) {
    %add3A = arith.constant 12 : i32
    %add3A_0 = arith.addi %arg0, %add3A : i32
    %get3A = arith.index_cast %add3A_0 : i32 to index
    %get3A_1 = memref.load %arg1[%get3A] : memref<48xi32, #tpu.memory_space<smem>>
    %c0_i32 = arith.constant 0 : i32
    %c0_i32_2 = arith.constant 0 : i32
    %c0_i32_3 = arith.constant 0 : i32
    return %get3A_1, %c0_i32, %c0_i32_2 : i32, i32, i32
  }
  func.func @transform_2(%arg0: i32, %arg1: memref<48xi32, #tpu.memory_space<smem>>) -> (i32, i32, i32) {
    %add3A = arith.constant 12 : i32
    %add3A_0 = arith.addi %arg0, %add3A : i32
    %get3A = arith.index_cast %add3A_0 : i32 to index
    %get3A_1 = memref.load %arg1[%get3A] : memref<48xi32, #tpu.memory_space<smem>>
    %c0_i32 = arith.constant 0 : i32
    %c0_i32_2 = arith.constant 0 : i32
    %c0_i32_3 = arith.constant 0 : i32
    return %get3A_1, %c0_i32, %c0_i32_2 : i32, i32, i32
  }
  func.func @transform_3(%arg0: i32, %arg1: memref<48xi32, #tpu.memory_space<smem>>) -> (i32, i32, i32) {
    %add3A = arith.constant 12 : i32
    %add3A_0 = arith.addi %arg0, %add3A : i32
    %get3A = arith.index_cast %add3A_0 : i32 to index
    %get3A_1 = memref.load %arg1[%get3A] : memref<48xi32, #tpu.memory_space<smem>>
    %c0_i32 = arith.constant 0 : i32
    %c0_i32_2 = arith.constant 0 : i32
    %c0_i32_3 = arith.constant 0 : i32
    return %get3A_1, %c0_i32, %c0_i32_2 : i32, i32, i32
  }
  func.func @transform_4(%arg0: i32, %arg1: memref<48xi32, #tpu.memory_space<smem>>) -> (i32, i32) {
    %c0_i32 = arith.constant 0 : i32
    %c0_i32_0 = arith.constant 0 : i32
    %c0_i32_1 = arith.constant 0 : i32
    return %c0_i32, %c0_i32_0 : i32, i32
  }
  func.func @transform_5(%arg0: i32, %arg1: memref<48xi32, #tpu.memory_space<smem>>) -> (i32, i32) {
    %add3A = arith.constant 12 : i32
    %add3A_0 = arith.addi %arg0, %add3A : i32
    %c0_i32 = arith.constant 0 : i32
    %c0_i32_1 = arith.constant 0 : i32
    return %add3A_0, %c0_i32 : i32, i32
  }
  func.func @transform_6(%arg0: i32, %arg1: memref<48xi32, #tpu.memory_space<smem>>) -> (i32, i32) {
    %c0_i32 = arith.constant 0 : i32
    %c0_i32_0 = arith.constant 0 : i32
    %c0_i32_1 = arith.constant 0 : i32
    return %c0_i32, %c0_i32_0 : i32, i32
  }
  func.func @transform_7(%arg0: i32, %arg1: memref<48xi32, #tpu.memory_space<smem>>) -> (i32, i32) {
    %c0_i32 = arith.constant 0 : i32
    %c0_i32_0 = arith.constant 0 : i32
    %c0_i32_1 = arith.constant 0 : i32
    return %c0_i32, %c0_i32_0 : i32, i32
  }
}

module attributes {stable_mosaic.version = 14 : i64} {
  func.func @_mlp_tile_kernel(%arg0: i32, %arg1: memref<48xi32, #tpu.memory_space<smem>>, %arg2: memref<128x512xi32, #tpu.memory_space<vmem>>, %arg3: memref<1x1024x1024xf32, #tpu.memory_space<vmem>>, %arg4: memref<1x1x1024xf32, #tpu.memory_space<vmem>>, %arg5: memref<1x1x1024xf32, #tpu.memory_space<vmem>>, %arg6: memref<4x1xf32, #tpu.memory_space<smem>>, %arg7: memref<128x1xi32, #tpu.memory_space<vmem>>, %arg8: memref<1x128xi32, #tpu.memory_space<vmem>>, %arg9: memref<4x128xf32, #tpu.memory_space<vmem>>) attributes {dimension_semantics = [#tpu.dimension_semantics<arbitrary>], iteration_bounds = array<i64: 12>, scalar_prefetch = 1 : i64, scratch_operands = 0 : i64, tpu.core_type = #tpu.core_type<tc>, window_params = [{transform_indices = @transform_0, window_bounds = array<i64: 128, 512>}, {transform_indices = @transform_1, window_bounds = array<i64: 1, 1024, 1024>}, {transform_indices = @transform_2, window_bounds = array<i64: 1, 1, 1024>}, {transform_indices = @transform_3, window_bounds = array<i64: 1, 1, 1024>}, {transform_indices = @transform_4, window_bounds = array<i64: 4, 1>}, {transform_indices = @transform_5, window_bounds = array<i64: 128, 1>}, {pipeline_mode = #tpu.pipeline_mode<synchronous>, transform_indices = @transform_6, window_bounds = array<i64: 1, 128>}, {pipeline_mode = #tpu.pipeline_mode<synchronous>, transform_indices = @transform_7, window_bounds = array<i64: 4, 128>}]} {
    %add3A = arith.constant 0 : i32
    %add3A_0 = arith.addi %arg0, %add3A : i32
    %eq3A = arith.constant 0 : i32
    %eq3A_1 = arith.cmpi eq, %arg0, %eq3A : i32
    %convert_element_type3A = arith.extui %eq3A_1 : i1 to i32
    %cond3A = arith.constant 0 : i32
    %cond3A_2 = arith.cmpi ne, %convert_element_type3A, %cond3A : i32
    scf.if %cond3A_2 {
      %broadcast_in_dim3A_84 = arith.constant 0.000000e+00 : f32
      %broadcast_in_dim3A_85 = vector.broadcast %broadcast_in_dim3A_84 : f32 to vector<4x128xf32>
      %swap3A_86 = arith.constant 0 : index
      %swap3A_87 = arith.constant 0 : index
      %swap3A_88 = vector.load %arg9[%swap3A_86, %swap3A_87] : memref<4x128xf32, #tpu.memory_space<vmem>>, vector<4x128xf32>
      tpu.vector_store %arg9[%swap3A_86, %swap3A_87], %broadcast_in_dim3A_85 {strides = array<i32>} : memref<4x128xf32, #tpu.memory_space<vmem>>, vector<4x128xf32>,
    } else {
    }
    %get3A = arith.constant 0 : index
    %get3A_3 = arith.constant 0 : index
    %get3A_4 = vector.load %arg2[%get3A, %get3A_3] : memref<128x512xi32, #tpu.memory_space<vmem>>, vector<128x512xi32>
    %shift_left3A = arith.constant 16 : i32
    %shift_left3A_5 = vector.broadcast %shift_left3A : i32 to vector<128x512xi32>
    %shift_left3A_6 = arith.shli %get3A_4, %shift_left3A_5 : vector<128x512xi32>
    %bitcast_convert_type3A = tpu.bitcast %shift_left3A_6 : vector<128x512xi32> -> vector<128x512xf32>
    %convert_element_type3A_7 = arith.truncf %bitcast_convert_type3A : vector<128x512xf32> to vector<128x512xbf16>
    %and3A = arith.constant -65536 : i32
    %and3A_8 = vector.broadcast %and3A : i32 to vector<128x512xi32>
    %and3A_9 = arith.andi %get3A_4, %and3A_8 : vector<128x512xi32>
    %bitcast_convert_type3A_10 = tpu.bitcast %and3A_9 : vector<128x512xi32> -> vector<128x512xf32>
    %convert_element_type3A_11 = arith.truncf %bitcast_convert_type3A_10 : vector<128x512xf32> to vector<128x512xbf16>
    %get3A_12 = arith.constant 0 : index
    %get3A_13 = arith.constant 0 : index
    %get3A_14 = arith.constant 0 : index
    %get3A_15 = vector.load %arg3[%get3A_12, %get3A_13, %get3A_14] : memref<1x1024x1024xf32, #tpu.memory_space<vmem>>, vector<1x1024x1024xf32>
    %get3A_16 = vector.shape_cast %get3A_15 : vector<1x1024x1024xf32> to vector<1024x1024xf32>
    %convert_element_type3A_17 = arith.truncf %get3A_16 : vector<1024x1024xf32> to vector<1024x1024xbf16>
    %slice3A = vector.extract_strided_slice %convert_element_type3A_17 {offsets = [0, 0], sizes = [512, 1024], strides = [1, 1]} : vector<1024x1024xbf16> to vector<512x1024xbf16>
    %dot_general3A = arith.constant dense<0.000000e+00> : vector<128x1024xf32>
    %dot_general3A_18 = tpu.matmul %convert_element_type3A_7, %slice3A, %dot_general3A {dimension_numbers = #tpu.dot_dimension_numbers<[1], [0], [0], [1], [0, 0, 1, 1], [], []>, transpose_lhs_hint = false} : vector<128x512xbf16>, vector<512x1024xbf16>, vector<128x1024xf32> -> vector<128x1024xf32>
    %slice3A_19 = vector.extract_strided_slice %convert_element_type3A_17 {offsets = [512, 0], sizes = [512, 1024], strides = [1, 1]} : vector<1024x1024xbf16> to vector<512x1024xbf16>
    %dot_general3A_20 = arith.constant dense<0.000000e+00> : vector<128x1024xf32>
    %dot_general3A_21 = tpu.matmul %convert_element_type3A_11, %slice3A_19, %dot_general3A_20 {dimension_numbers = #tpu.dot_dimension_numbers<[1], [0], [0], [1], [0, 0, 1, 1], [], []>, transpose_lhs_hint = false} : vector<128x512xbf16>, vector<512x1024xbf16>, vector<128x1024xf32> -> vector<128x1024xf32>
    %add3A_22 = arith.addf %dot_general3A_18, %dot_general3A_21 : vector<128x1024xf32>
    %get3A_23 = arith.constant 0 : index
    %get3A_24 = arith.constant 0 : index
    %get3A_25 = arith.constant 0 : index
    %get3A_26 = vector.load %arg4[%get3A_23, %get3A_24, %get3A_25] : memref<1x1x1024xf32, #tpu.memory_space<vmem>>, vector<1x1x1024xf32>
    %get3A_27 = vector.shape_cast %get3A_26 : vector<1x1x1024xf32> to vector<1x1024xf32>
    %add3A_28 = vector.broadcast %get3A_27 : vector<1x1024xf32> to vector<128x1024xf32>
    %add3A_29 = arith.addf %add3A_22, %add3A_28 : vector<128x1024xf32>
    %integer_pow3A = arith.mulf %add3A_29, %add3A_29 : vector<128x1024xf32>
    %integer_pow3A_30 = arith.mulf %add3A_29, %integer_pow3A : vector<128x1024xf32>
    %mul3A = arith.constant 4.471500e-02 : f32
    %mul3A_31 = vector.broadcast %mul3A : f32 to vector<128x1024xf32>
    %mul3A_32 = arith.mulf %mul3A_31, %integer_pow3A_30 : vector<128x1024xf32>
    %add3A_33 = arith.addf %add3A_29, %mul3A_32 : vector<128x1024xf32>
    %mul3A_34 = arith.constant 0.797884583 : f32
    %mul3A_35 = vector.broadcast %mul3A_34 : f32 to vector<128x1024xf32>
    %mul3A_36 = arith.mulf %mul3A_35, %add3A_33 : vector<128x1024xf32>
    %tanh3A = math.tanh %mul3A_36 : vector<128x1024xf32>
    %add3A_37 = arith.constant 1.000000e+00 : f32
    %add3A_38 = vector.broadcast %add3A_37 : f32 to vector<128x1024xf32>
    %add3A_39 = arith.addf %add3A_38, %tanh3A : vector<128x1024xf32>
    %mul3A_40 = arith.constant 5.000000e-01 : f32
    %mul3A_41 = vector.broadcast %mul3A_40 : f32 to vector<128x1024xf32>
    %mul3A_42 = arith.mulf %mul3A_41, %add3A_39 : vector<128x1024xf32>
    %mul3A_43 = arith.mulf %add3A_29, %mul3A_42 : vector<128x1024xf32>
    %get3A_44 = arith.constant 0 : index
    %get3A_45 = arith.constant 0 : index
    %get3A_46 = arith.constant 0 : index
    %get3A_47 = vector.load %arg5[%get3A_44, %get3A_45, %get3A_46] : memref<1x1x1024xf32, #tpu.memory_space<vmem>>, vector<1x1x1024xf32>
    %get3A_48 = vector.shape_cast %get3A_47 : vector<1x1x1024xf32> to vector<1x1024xf32>
    %mul3A_49 = vector.broadcast %get3A_48 : vector<1x1024xf32> to vector<128x1024xf32>
    %mul3A_50 = arith.mulf %mul3A_43, %mul3A_49 : vector<128x1024xf32>
    %reduce_sum3A = arith.constant dense<0.000000e+00> : vector<128xf32>
    %reduce_sum3A_51 = vector.multi_reduction <add>, %mul3A_50, %reduce_sum3A [1] : vector<128x1024xf32> to vector<128xf32>
    %broadcast_in_dim3A = vector.shape_cast %reduce_sum3A_51 : vector<128xf32> to vector<128x1xf32>
    %get3A_52 = arith.index_cast %add3A_0 : i32 to index
    %get3A_53 = memref.load %arg1[%get3A_52] : memref<48xi32, #tpu.memory_space<smem>>
    %get3A_54 = arith.index_cast %get3A_53 : i32 to index
    %get3A_55 = arith.constant 0 : index
    %get3A_56 = memref.load %arg6[%get3A_54, %get3A_55] : memref<4x1xf32, #tpu.memory_space<smem>>
    %add3A_57 = vector.broadcast %get3A_56 : f32 to vector<128x1xf32>
    %add3A_58 = arith.addf %broadcast_in_dim3A, %add3A_57 : vector<128x1xf32>
    %get3A_59 = arith.constant 0 : index
    %get3A_60 = arith.constant 0 : index
    %get3A_61 = vector.load %arg7[%get3A_59, %get3A_60] : memref<128x1xi32, #tpu.memory_space<vmem>>, vector<128x1xi32>
    %iota3A = tpu.iota {dimensions = array<i32: 1>} : vector<128x128xi32>
    %eq3A_62 = vector.broadcast %get3A_61 : vector<128x1xi32> to vector<128x128xi32>
    %eq3A_63 = arith.cmpi eq, %eq3A_62, %iota3A : vector<128x128xi32>
    %convert_element_type3A_64 = arith.extui %eq3A_63 : vector<128x128xi1> to vector<128x128xi32>
    %convert_element_type3A_65 = arith.sitofp %convert_element_type3A_64 : vector<128x128xi32> to vector<128x128xf32>
    %dot_general3A_66 = arith.constant dense<0.000000e+00> : vector<1x128xf32>
    %dot_general3A_67 = tpu.matmul %add3A_58, %convert_element_type3A_65, %dot_general3A_66 {dimension_numbers = #tpu.dot_dimension_numbers<[0], [0], [1], [1], [0, 1, 1, 1], [], []>, transpose_lhs_hint = false} : vector<128x1xf32>, vector<128x128xf32>, vector<1x128xf32> -> vector<1x128xf32>
    %get3A_68 = arith.constant 0 : index
    %get3A_69 = arith.constant 0 : index
    %get3A_70 = vector.load %arg8[%get3A_68, %get3A_69] : memref<1x128xi32, #tpu.memory_space<vmem>>, vector<1x128xi32>
    %iota3A_71 = tpu.iota {dimensions = array<i32: 0>} : vector<4x128xi32>
    %eq3A_72 = vector.broadcast %get3A_70 : vector<1x128xi32> to vector<4x128xi32>
    %eq3A_73 = arith.cmpi eq, %eq3A_72, %iota3A_71 : vector<4x128xi32>
    %convert_element_type3A_74 = arith.extui %eq3A_73 : vector<4x128xi1> to vector<4x128xi32>
    %convert_element_type3A_75 = arith.sitofp %convert_element_type3A_74 : vector<4x128xi32> to vector<4x128xf32>
    %get3A_76 = arith.constant 0 : index
    %get3A_77 = arith.constant 0 : index
    %get3A_78 = vector.load %arg9[%get3A_76, %get3A_77] : memref<4x128xf32, #tpu.memory_space<vmem>>, vector<4x128xf32>
    %mul3A_79 = vector.broadcast %dot_general3A_67 : vector<1x128xf32> to vector<4x128xf32>
    %mul3A_80 = arith.mulf %convert_element_type3A_75, %mul3A_79 : vector<4x128xf32>
    %add3A_81 = arith.addf %get3A_78, %mul3A_80 : vector<4x128xf32>
    %swap3A = arith.constant 0 : index
    %swap3A_82 = arith.constant 0 : index
    %swap3A_83 = vector.load %arg9[%swap3A, %swap3A_82] : memref<4x128xf32, #tpu.memory_space<vmem>>, vector<4x128xf32>
    tpu.vector_store %arg9[%swap3A, %swap3A_82], %add3A_81 {strides = array<i32>} : memref<4x128xf32, #tpu.memory_space<vmem>>, vector<4x128xf32>,
    return
  }
  func.func @transform_0(%arg0: i32, %arg1: memref<48xi32, #tpu.memory_space<smem>>) -> (i32, i32) {
    %c0_i32 = arith.constant 0 : i32
    %c0_i32_0 = arith.constant 0 : i32
    return %arg0, %c0_i32 : i32, i32
  }
  func.func @transform_1(%arg0: i32, %arg1: memref<48xi32, #tpu.memory_space<smem>>) -> (i32, i32, i32) {
    %add3A = arith.constant 0 : i32
    %add3A_0 = arith.addi %arg0, %add3A : i32
    %get3A = arith.index_cast %add3A_0 : i32 to index
    %get3A_1 = memref.load %arg1[%get3A] : memref<48xi32, #tpu.memory_space<smem>>
    %c0_i32 = arith.constant 0 : i32
    %c0_i32_2 = arith.constant 0 : i32
    %c0_i32_3 = arith.constant 0 : i32
    return %get3A_1, %c0_i32, %c0_i32_2 : i32, i32, i32
  }
  func.func @transform_2(%arg0: i32, %arg1: memref<48xi32, #tpu.memory_space<smem>>) -> (i32, i32, i32) {
    %add3A = arith.constant 0 : i32
    %add3A_0 = arith.addi %arg0, %add3A : i32
    %get3A = arith.index_cast %add3A_0 : i32 to index
    %get3A_1 = memref.load %arg1[%get3A] : memref<48xi32, #tpu.memory_space<smem>>
    %c0_i32 = arith.constant 0 : i32
    %c0_i32_2 = arith.constant 0 : i32
    %c0_i32_3 = arith.constant 0 : i32
    return %get3A_1, %c0_i32, %c0_i32_2 : i32, i32, i32
  }
  func.func @transform_3(%arg0: i32, %arg1: memref<48xi32, #tpu.memory_space<smem>>) -> (i32, i32, i32) {
    %add3A = arith.constant 0 : i32
    %add3A_0 = arith.addi %arg0, %add3A : i32
    %get3A = arith.index_cast %add3A_0 : i32 to index
    %get3A_1 = memref.load %arg1[%get3A] : memref<48xi32, #tpu.memory_space<smem>>
    %c0_i32 = arith.constant 0 : i32
    %c0_i32_2 = arith.constant 0 : i32
    %c0_i32_3 = arith.constant 0 : i32
    return %get3A_1, %c0_i32, %c0_i32_2 : i32, i32, i32
  }
  func.func @transform_4(%arg0: i32, %arg1: memref<48xi32, #tpu.memory_space<smem>>) -> (i32, i32) {
    %c0_i32 = arith.constant 0 : i32
    %c0_i32_0 = arith.constant 0 : i32
    %c0_i32_1 = arith.constant 0 : i32
    return %c0_i32, %c0_i32_0 : i32, i32
  }
  func.func @transform_5(%arg0: i32, %arg1: memref<48xi32, #tpu.memory_space<smem>>) -> (i32, i32) {
    %add3A = arith.constant 0 : i32
    %add3A_0 = arith.addi %arg0, %add3A : i32
    %c0_i32 = arith.constant 0 : i32
    %c0_i32_1 = arith.constant 0 : i32
    return %add3A_0, %c0_i32 : i32, i32
  }
  func.func @transform_6(%arg0: i32, %arg1: memref<48xi32, #tpu.memory_space<smem>>) -> (i32, i32) {
    %c0_i32 = arith.constant 0 : i32
    %c0_i32_0 = arith.constant 0 : i32
    %c0_i32_1 = arith.constant 0 : i32
    return %c0_i32, %c0_i32_0 : i32, i32
  }
  func.func @transform_7(%arg0: i32, %arg1: memref<48xi32, #tpu.memory_space<smem>>) -> (i32, i32) {
    %c0_i32 = arith.constant 0 : i32
    %c0_i32_0 = arith.constant 0 : i32
    %c0_i32_1 = arith.constant 0 : i32
    return %c0_i32, %c0_i32_0 : i32, i32
  }
}

</mosaic_0001>

<sc_bundles>
// kernel: kernel.10.cloned.1.call-start
scs
__scs_entry_jumppad:
0x0: {  	(pc) =	sbr.rel $0x88, $3  }
0x1: {  	(tag) =	ssettag $0x0;
	lr =	simm.s32 $0x1  }
0x2: {  	[smem:$0x3F9A] =	sst lr;
	_ =	strace $0xD0000000  }
0x3: {  	_ = 	snop  }
0x4: {  	_ = 	snop  }
0x5: {  	_ = 	snop  }
0x6: {  	_ = 	snop  }
0x7: {  	_ = 	snop  }
__scs_overlays_trampoline_lowered:
0x8: {  	[smem:$0x3FA9] =	sst s0  }
0x9: {  	[smem:$0x3FAA] =	sst s1  }
0xa: {  	[smem:$0x3FAB] =	sst s2  }
0xb: {  	[smem:$0x3FAC] =	sst s3  }
0xc: {  	[smem:$0x3FAD] =	sst s4  }
0xd: {  	[smem:$0x3FAE] =	sst s5  }
0xe: {  	[smem:$0x3FAF] =	sst s6  }
0xf: {  	[smem:$0x3FB0] =	sst s7  }
0x10: {  	[smem:$0x3FB1] =	sst s8  }
0x11: {  	[smem:$0x3FB2] =	sst s9;
	s0 =	simm.s32 @!p0 $0x0  }
0x12: {  	s1 =	sld [smem:$0x3F98];
	s0 =	simm.s32 @p0 $0x1  }
0x13: {  	[smem:$0x3FB3] =	sst s0;
	s0 =	simm.s32 @!p1 $0x0  }
0x14: {  	s2 =	sld [smem:$0x3F97];
	s0 =	simm.s32 @p1 $0x1  }
0x15: {  	[smem:$0x3FB4] =	sst s0;
	s0 =	simm.s32 @!p2 $0x0  }
0x16: {  	s3 =	sld [smem:$0x3FDB];
	s0 =	simm.s32 @p2 $0x1  }
0x17: {  	s4 =	simm.s32 $0x1BF5;
	[smem:$0x3FB6] =	sst s0  }
0x18: {  	s0 =	sld [smem:$0x3F99];
	_ =	swait.ge [sflag:s4], $0x0  }
0x19: {  	s7 =	sld [smem:$0x3F9A]  }
0x1a: {  	s8 =	sadd.s32 $0xFFFFE003, lr  }
0x1b: {  	s9 =	sadd.s32 $0xFFFFFEF7, lr;
	s5 =	simm.s32 $0xFFFFFFFF;
	p2 =	slt.u32 s8, $0xFFFFF086  }
0x1c: {  	p1 =	slt.u32 s9, $0xF7A;
	s5 =	simm.s32 @!p2 $0x0  }
0x1d: {  	s5 =	simm.s32 @p1 $0x1;
	p0 =	seq.s32 s7, s2  }
0x1e: {  	s7 =	smul.u32 @!p0 $0xF7A, s2;
	p2 =	seq.s32 @!p0 s5, $0x0  }
0x1f: {  	s9 =	smul.u32 $0xF7A, s1;
	s8 =	simm.s32 @!p0 $0x1BF5;
	p2 =	por !p2, p0  }
0x20: {  	[sflag:s8] =	ssyncset.s32 @!p0 $0xFFFFF086;
	s6 =	sadd.s32 @!p0 s3, s7;
	s7 =	simm.s32 @!p0 $0x108  }
0x21: {  	s3 =	sadd.s32 s3, s9;
	s6 =	sadd.s32 @!p0 $0x88, s6;
	s7 =	simm.s32 @p2 $0x1082  }
0x22: {  	[simem:s7], [sflag:s8] =	dma.local @!p0 [hbm:s6], $0xF7A  }
0x23: {  	s9 =	sor.u32 $0xD0000000, s2;
	s6 =	simm.s32 $0x108;
	_ =	swait.ge @!p0 [sflag:s8], $0x0  }
0x24: {  	s3 =	sadd.s32 $0x88, s3;
	s6 =	simm.s32 @!p1 $0x1082;
	[sflag:s4] =	ssyncset.s32 $0xFFFFF086  }
0x25: {  	[simem:s6], [sflag:s4] =	dma.local [hbm:s3], $0xF7A  }
0x26: {  	[smem:$0x3F9A] =	sst s1;
	(tag) =	ssettag s2;
	_ =	strace s9  }
0x27: {  	s1 =	sld [smem:$0x3FAA]  }
0x28: {  	s2 =	sld [smem:$0x3FAB]  }
0x29: {  	s4 =	sld [smem:$0x3FAD]  }
0x2a: {  	p0 =	seq.s32 s5, $0x0;
	s5 =	sld [smem:$0x3FAE]  }
0x2b: {  	s6 =	sld [smem:$0x3FAF]  }
0x2c: {  	s7 =	sld [smem:$0x3FB0]  }
0x2d: {  	s3 =	simm.s32 $0x108;
	s8 =	sld [smem:$0x3FB1]  }
0x2e: {  	s3 =	simm.s32 @!p0 $0x1082;
	s9 =	sld [smem:$0x3FB2]  }
0x2f: {  	lr =	sadd.s32 s0, s3;
	s0 =	sld [smem:$0x3FA9]  }
0x30: {  	s3 =	sld [smem:$0x3FAC]  }
0x31: {  	[smem:$0x3FB5] =	sst s10  }
0x32: {  	s10 =	sld [smem:$0x3FB3];
	_ =	sdelay $0x3  }
0x33: {  	p0 =	seq.s32 s10, $0x1;
	s10 =	sld [smem:$0x3FB5];
	_ =	sdelay $0x3  }
0x34: {  	[smem:$0x3FB5] =	sst s10  }
0x35: {  	s10 =	sld [smem:$0x3FB4];
	_ =	sdelay $0x3  }
0x36: {  	p1 =	seq.s32 s10, $0x1;
	s10 =	sld [smem:$0x3FB5];
	_ =	sdelay $0x3  }
0x37: {  	[smem:$0x3FB5] =	sst s10  }
0x38: {  	s10 =	sld [smem:$0x3FB6]  }
0x39: {  	_ = 	snop;
	(pc) =	sbr.ind lr, $3  }
0x3a: {  	_ = 	snop  }
0x3b: {  	_ = 	snop  }
0x3c: {  	p2 =	seq.s32 s10, $0x1;
	s10 =	sld [smem:$0x3FB5]  }
0x3d: {  	_ =	shalt  }
0x3e: {  	_ =	shalt  }
0x3f: {  	_ =	shalt  }
0x40: {  	_ =	shalt  }
0x41: {  	_ =	shalt  }
0x42: {  	_ =	shalt  }
0x43: {  	_ =	shalt  }
0x44: {  	_ =	shalt  }
0x45: {  	_ =	shalt  }
0x46: {  	_ =	shalt  }
0x47: {  	_ =	shalt  }
0x48: {  	_ =	shalt  }
0x49: {  	_ =	shalt  }
0x4a: {  	_ =	shalt  }
0x4b: {  	_ =	shalt  }
0x4c: {  	_ =	shalt  }
0x4d: {  	_ =	shalt  }
0x4e: {  	_ =	shalt  }
0x4f: {  	_ =	shalt  }
0x50: {  	_ =	shalt  }
0x51: {  	_ =	shalt  }
0x52: {  	_ =	shalt  }
0x53: {  	_ =	shalt  }
0x54: {  	_ =	shalt  }
0x55: {  	_ =	shalt  }
0x56: {  	_ =	shalt  }
0x57: {  	_ =	shalt  }
0x58: {  	_ =	shalt  }
0x59: {  	_ =	shalt  }
0x5a: {  	_ =	shalt  }
0x5b: {  	_ =	shalt  }
0x5c: {  	_ =	shalt  }
0x5d: {  	_ =	shalt  }
0x5e: {  	_ =	shalt  }
0x5f: {  	_ =	shalt  }
0x60: {  	_ =	shalt  }
0x61: {  	_ =	shalt  }
0x62: {  	_ =	shalt  }
0x63: {  	_ =	shalt  }
0x64: {  	_ =	shalt  }
0x65: {  	_ =	shalt  }
0x66: {  	_ =	shalt  }
0x67: {  	_ =	shalt  }
0x68: {  	_ =	shalt  }
0x69: {  	_ =	shalt  }
0x6a: {  	_ =	shalt  }
0x6b: {  	_ =	shalt  }
0x6c: {  	_ =	shalt  }
0x6d: {  	_ =	shalt  }
0x6e: {  	_ =	shalt  }
0x6f: {  	_ =	shalt  }
0x70: {  	_ =	shalt  }
0x71: {  	_ =	shalt  }
0x72: {  	_ =	shalt  }
0x73: {  	_ =	shalt  }
0x74: {  	_ =	shalt  }
0x75: {  	_ =	shalt  }
0x76: {  	_ =	shalt  }
0x77: {  	_ =	shalt  }
0x78: {  	_ =	shalt  }
0x79: {  	_ =	shalt  }
0x7a: {  	_ =	shalt  }
0x7b: {  	_ =	shalt  }
0x7c: {  	_ =	shalt  }
0x7d: {  	_ =	shalt  }
0x7e: {  	_ =	shalt  }
0x7f: {  	_ =	shalt  }
0x80: {  	_ =	shalt  }
0x81: {  	_ =	shalt  }
0x82: {  	_ =	shalt  }
0x83: {  	_ =	shalt  }
0x84: {  	_ =	shalt  }
0x85: {  	_ =	shalt  }
0x86: {  	_ =	shalt  }
0x87: {  	_ =	shalt  }
.Lfunc_end0:
.L_simem_size_0:
called_computation_lowered:
.L_overlay_start_0:
0x88: {  	s2 =	sld [smem:$0x3FD9]  }
0x89: {  	s3 =	sld [smem:$0x3FFE];
	_ =	sdelay $0x1  }
0x8a: {  	s1 =	srdreg.scid  }
0x8b: {  	s0 =	sand.u32 $0x1, s1  }
0x8c: {  	s17 =	sshll.u32 s0, $0xA;
	s2 =	sadd.s32 s3, s2  }
0x8d: {  	s2 =	sadd.s32 s2, s17  }
0x8e: {  	[smem:$0x3FC1] =	sst s2  }
0x8f: {  	_ = 	snop  }
0x90: {  	s2 =	sld [smem:$0x3FC8]  }
0x91: {  	s18 =	sld [smem:$0x3FC7]  }
0x92: {  	s4 =	sld [smem:$0x3FD0];
	(tm) =	ssettm $0x1  }
0x93: {  	s5 =	sld [smem:$0x3FFB];
	_ =	sdelay $0x3  }
0x94: {  	_ =	strace s5  }
0x95: {  	s5 =	sld [smem:$0x3FFC];
	_ =	sdelay $0x3  }
0x96: {  	_ =	strace s5  }
0x97: {  	s5 =	sld [smem:$0x3FFD];
	_ =	sdelay $0x3  }
0x98: {  	_ =	strace s5  }
0x99: {  	_ =	strace $0x8FFFFFFF  }
0x9a: {  	s19 =	sld [smem:$0x3FDB];
	_ =	sdelay $0x1  }
0x9b: {  	s6 =	simm.s32 $_scs_section_size  }
0x9c: {  	s7 =	simm.s32 $_size__tile_overlayer_lowered;
	s8 =	simm.s32 $_tile_overlayer_lowered  }
0x9d: {  	s22 =	simm.s32 $0x1BFF;
	s21 =	sshll.u32 s8, $0x1;
	s5 =	sadd.s32 s6, s19  }
0x9e: {  	s9 =	simm.s32 $0x0;
	s20 =	sshll.u32 s7, $0x1;
	s7 =	sadd.s32 s21, s5  }
0x9f: {  	[timem:s9], [sflag:s22] =	dma.local [hbm:s7], s20  }
0xa0: {  	_ =	swait.ge [sflag:s22], s20  }
0xa1: {  	s6 =	ssub.s32 $0x0, s20;
	[sflag:s22] =	ssyncset.done $0x0  }
0xa2: {  	[sflag:s22] =	ssyncadd.s32 s6;
	_ =	sdelay $0x1  }
0xa3: {  	s23 =	simm.s32 $0x1B8B  }
0xa4: {  	_ =	swait.ge [sflag:s23], $0x1  }
0xa5: {  	[sflag:s23] =	ssyncset.done $0x0  }
0xa6: {  	s25 =	simm.s32 $0x1B8E;
	s24 =	sld [smem:$0x3FFE];
	[sflag:s23] =	ssyncadd.s32 $0xFFFFFFFF  }
0xa7: {  	s26 =	simm.s32 $execute0_lowered;
	[smem:$0x3FD2] =	sst s25  }
0xa8: {  	s7 =	sshll.u32 s26, $0x1;
	_ =	strace $0x80000046;
	[dreg:$0x1] =	wrdreg $0xFFFFFFFF  }
0xa9: {  	s28 =	simm.s32 $_size_execute0_lowered;
	s5 =	sadd.s32 s5, s7;
	[dreg:$0x0] =	wrdreg $0x0  }
0xaa: {  	s7 =	sshll.u32 s28, $0x1;
	[dreg:$0x2] =	wrdreg s5  }
0xab: {  	[dreg:$0x3] =	wrdreg s7  }
0xac: {  	[dreg:$0x4] =	wrdreg $0xC0  }
0xad: {  	_ =	task [dreg:s9], $0x5FFFF  }
0xae: {  	[dreg:$0x1] =	wrdreg $0xFFFFFFFF  }
0xaf: {  	[dreg:$0x0] =	wrdreg $0x60  }
0xb0: {  	[dreg:$0x2] =	wrdreg s2  }
0xb1: {  	[dreg:$0x3] =	wrdreg s18  }
0xb2: {  	[dreg:$0x4] =	wrdreg s24  }
0xb3: {  	[dreg:$0x5] =	wrdreg s4  }
0xb4: {  	[dreg:$0x6] =	wrdreg $0x9  }
0xb5: {  	_ =	task.clear_ibuf [dreg:s9], $0x7FFFF;
	_ =	strace $0x90000046  }
0xb6: {  	s29 =	simm.s32 $0x9;
	_ =	strace $0x80000048  }
0xb7: {  	_ =	swait.ge [sflag:s29], $0x1  }
0xb8: {  	[sflag:s29] =	ssyncadd.s32 $0xFFFFFFFF  }
0xb9: {  	_ =	strace $0x90000048  }
0xba: {  	_ =	sfence  }
0xbb: {  	s30 =	sld [smem:$0x0];
	_ =	sdelay $0x2  }
0xbc: {  	s31 =	sshll.u32 s1, $0xD;
	s1 =	sshrl.u32 s1, $0x2  }
0xbd: {  	s3 =	sand.u32 $0x4000, s31;
	s1 =	sadd.s32 s1, s30  }
0xbe: {  	s0 =	sor.u32 s3, s0;
	s1 =	sshll.u32 s1, $0x11  }
0xbf: {  	s0 =	sor.u32 s1, s0  }
0xc0: {  	s0 =	sadd.s32 $0x8F2B, s0  }
0xc1: {  	[sflag:s0] =	ssyncadd.remote.s32 $0x1  }
0xc2: {  	_ =	sfence.sel $0xFFFF  }
0xc3: {  	[dreg:$0x0] =	wrdreg $0xFFFFFFFF;
	(pc) =	sbr.abs _section_cstart, $3  }
0xc4: {  	[dreg:$0x1] =	wrdreg $0xFFFFFFFF  }
0xc5: {  	_ =	task.clear_ibuf [dreg:s9], $0x2FFFF;
	_ =	strace $0x9FFFFFFF  }
0xc6: {  	(tm) =	ssettm $0x7FFFFFFF  }
0xc7: {  	_ =	shalt  }
tec
execute0_lowered:
.L_overlay_start_1:
0x0: {  	(tag) =	ssettag $0x1  }
0x1: {  	s1 =	srdreg.scid  }
0x2: {  	s5 =	sand.u32 $0x1, s1;
	s1 =	stileid.u32  }
0x3: {  	s7 =	sor.u32 s1, s5  }
0x4: {  	p0 =	sne.s32 s7, $0x0  }
.Ltmp0:
0x5: {  	s0 =	rddreg [dreg:$0x0];
	(pc) =	sbr.rel @p0 .LBB2_9-.Ltmp0, $4  }
0x6: {  	s2 =	rddreg [dreg:$0x1]  }
0x7: {  	s6 =	rddreg [dreg:$0x2]  }
0x8: {  	s4 =	rddreg [dreg:$0x3]  }
0x9: {  	s3 =	rddreg [dreg:$0x4];
	_ =	strace $0x80000047  }
0xa: {  	s7 =	ssub.s32 $0x2, s5;
	s5 =	sadd.s32 $0x3C00, s6;
	v0 =	vlaneseq.u32;
	s6 =	sadd.s32 $0x3800, s6  }
0xb: {  	s9 =	simm.s32 $0x1;
	s10 =	simm.s32 $0x1000;
	s11 =	simm.s32 $0x1080;
	v5 =	vmul.u32 $0x80, v0  }
0xc: {  	v1 =	vimm.s32 $0x0;
	v2 =	vimm.s32 $0xFFFFFFFF;
	s12 =	simm.s32 $0x2280;
	s13 =	simm.s32 $0x3480;
	s8 =	sshrl.u32 s7, $0x1  }
0xd: {  	s14 =	simm.s32 $0x0;
	s7 =	ssub.s32 s7, s8;
	s8 =	simm.s32 $0x0;
	v3 =	vor.u32 $0x1, v5;
	v4 =	vor.u32 $0x801, v5;
	v5 =	vor.u32 $0x1001, v5  }
.LBB2_2:
0xe: {  	[tilespmem:s8], [sflag:$0x1] =	stream.linear.gather [hbm4b:s0+s8], $0x1000, $0x38;
	[tilespmem:$0x3500] =	vst v63  }
0xf: {  	_ =	swait.ge [sflag:s9], $0x1000  }
0x10: {  	[sflag:s9] =	ssyncset.done $0x0  }
0x11: {  	[sflag:s9] =	ssyncadd.s32 $0xFFFFF000  }
0x12: {  	[tilespmem:s10], [sflag:$0x1] =	stream.linear.gather [hbm4b:s2+s8], $0x80, $0x38;
	[tilespmem:$0x3500] =	vst v63  }
0x13: {  	_ =	swait.ge [sflag:s9], $0x80  }
0x14: {  	[sflag:s9] =	ssyncset.done $0x0  }
0x15: {  	s15 =	simm.s32 $0x0;
	[sflag:s9] =	ssyncadd.s32 $0xFFFFFF80  }
.LBB2_3:
0x16: {  	p0 =	sne.s32 s15, $0x47C0  }
.Ltmp1:
0x17: {  	_ = 	snop;
	(pc) =	sbr.rel @p0 .LBB2_3-.Ltmp1, $4  }
0x18: {  	_ = 	snop  }
0x19: {  	s16 =	sshra.s32 s15, $0x2  }
0x1a: {  	[tilespmem:s16+$0x1080] =	vst v1  }
0x1b: {  	s15 =	sadd.s32 $0x40, s15;
	[tilespmem:s16+$0x2280] =	vst v2  }
0x1c: {  	s15 =	simm.s32 $0x0  }
0x1d: {  	v6 =	vld [tilespmem:s15+$0x0];
	_ =	sdelay $0x2  }
0x1e: {  	s29 =	simm.s32 $0x10  }
0x1f: {  	v7 =	vld [tilespmem:s29+$0x0];
	_ =	sdelay $0x3  }
0x20: {  	v6 =	vld.idx.msk [tilespmem:v6+s10+$0x0], $0xffff;
	_ =	sdelay $0x3  }
0x21: {  	v7 =	vld.idx.msk [tilespmem:v7+s10+$0x0], $0xffff  }
0x22: {  	vm0 =	veq.s32 v6, $0x2  }
0x23: {  	v9 =	vsel vm0, $0x1, v1  }
0x24: {  	vm1 =	veq.s32 v6, $0x0;
	(xrf0) =	vadd.scan.msk.s32 $0xffff, v9  }
0x25: {  	s30 =	simm.s32 $0x20;
	vm9 =	veq.s32 v6, $0x1;
	v10 =	vsel vm1, $0x1, v1  }
0x26: {  	v8 =	vld [tilespmem:s30+$0x0];
	vm10 =	veq.s32 v7, $0x2;
	vm12 =	veq.s32 v7, $0x1;
	v6 =	vsel vm9, $0x1, v1;
	(xrf0) =	vadd.scan.msk.s32 $0xffff, v10  }
0x27: {  	vm11 =	veq.s32 v7, $0x0;
	v7 =	vsel vm12, $0x1, v1;
	(xrf0) =	vadd.scan.msk.s32 $0xffff, v6;
	v6 =	vsel vm10, $0x1, v1  }
0x28: {  	v60 =	vsel vm11, $0x1, v1;
	(xrf0) =	vadd.scan.msk.s32 $0xffff, v6  }
0x29: {  	(xrf0) =	vadd.scan.msk.s32 $0xffff, v60  }
0x2a: {  	(xrf0) =	vadd.scan.msk.s32 $0xffff, v7;
	v7, _, _ =	vpop (xrf0)  }
0x2b: {  	(v2sf) =	vpush v7, $0xF  }
0x2c: {  	v61, _, _ =	vpop (xrf0)  }
0x2d: {  	v7, _, _ =	vpop (xrf0);
	(v2sf) =	vpush v61, $0xF  }
0x2e: {  	s31 =	simm.s32 $0x30;
	v6 =	vld.idx.msk [tilespmem:v8+s10+$0x0], $0xffff;
	(v2sf) =	vpush v7, $0xF;
	v7, _, _ =	vpop (xrf0)  }
0x2f: {  	v8 =	vld [tilespmem:s31+$0x0];
	v62, _, _ =	vpop (xrf0);
	(v2sf) =	vpush v7, $0xF  }
0x30: {  	v11, _, _ =	vpop (xrf0);
	(v2sf) =	vpush v62, $0xF  }
0x31: {  	(v2sf) =	vpush v11, $0xF;
	_ =	sdelay $0x2  }
0x32: {  	vm13 =	veq.s32 v6, $0x2  }
0x33: {  	vm14 =	veq.s32 v6, $0x0;
	v7 =	vsel vm13, $0x1, v1  }
0x34: {  	s19 =	simm.s32 $0x40;
	s18 =	simm.s32 $0x140;
	vm15 =	veq.s32 v6, $0x1;
	v63 =	vsel vm14, $0x1, v1;
	(xrf0) =	vadd.scan.msk.s32 $0xffff, v7  }
0x35: {  	s16 =	simm.s32 $0x0;
	s17 =	simm.s32 $0x0;
	s15 =	simm.s32 $0x0;
	v7 =	vsel vm15, $0x1, v1;
	v6 =	vld.idx.msk [tilespmem:v8+s10+$0x0], $0xffff;
	(xrf0) =	vadd.scan.msk.s32 $0xffff, v63  }
.LBB2_5:
0x36: {  	p0 =	sne.s32 s18, $0x3FC0;
	v8 =	vld [tilespmem:s19+$0x0];
	(xrf0) =	vadd.scan.msk.s32 $0xffff, v7;
	_ =	sdelay $0x1  }
0x37: {  	s19 =	spop (v2sf)  }
0x38: {  	s15 =	sadd.s32 s15, s19  }
.Ltmp2:
0x39: {  	v7, _, _ =	vpop (xrf0);
	s19 =	spop (v2sf);
	(pc) =	sbr.rel @p0 .LBB2_5-.Ltmp2, $4  }
0x3a: {  	vm0 =	veq.s32 v6, $0x0;
	vm1 =	veq.s32 v6, $0x2;
	v9, _, _ =	vpop (xrf0);
	(v2sf) =	vpush v7, $0xF;
	s16 =	sadd.s32 s16, s19;
	s19 =	spop (v2sf)  }
0x3b: {  	v10 =	vsel vm0, $0x1, v1;
	vm0 =	veq.s32 v6, $0x1;
	v6 =	vsel vm1, $0x1, v1;
	v11, _, _ =	vpop (xrf0);
	s17 =	sadd.s32 s17, s19  }
0x3c: {  	v7 =	vsel vm0, $0x1, v1;
	(xrf0) =	vadd.scan.msk.s32 $0xffff, v6;
	(v2sf) =	vpush v9, $0xF  }
0x3d: {  	s19 =	sshra.s32 s18, $0x2;
	s18 =	sadd.s32 $0x40, s18;
	v6 =	vld.idx.msk [tilespmem:v8+s10+$0x0], $0xffff;
	(xrf0) =	vadd.scan.msk.s32 $0xffff, v10;
	(v2sf) =	vpush v11, $0xF  }
0x3e: {  	v8 =	vld [tilespmem:s19+$0x0];
	_ =	sdelay $0x7  }
0x3f: {  	v8 =	vld.idx.msk [tilespmem:v8+s10+$0x0], $0xffff;
	_ =	sdelay $0x1  }
0x40: {  	vm0 =	veq.s32 v6, $0x2  }
0x41: {  	(xrf0) =	vadd.scan.msk.s32 $0xffff, v7;
	vm1 =	veq.s32 v6, $0x0;
	v7 =	vsel vm0, $0x1, v1  }
0x42: {  	vm13 =	veq.s32 v6, $0x1;
	v9 =	vsel vm1, $0x1, v1;
	(xrf0) =	vadd.scan.msk.s32 $0xffff, v7  }
0x43: {  	v6 =	vsel vm13, $0x1, v1;
	(xrf0) =	vadd.scan.msk.s32 $0xffff, v9;
	vm14 =	veq.s32 v8, $0x2  }
0x44: {  	(xrf0) =	vadd.scan.msk.s32 $0xffff, v6;
	v6 =	vsel vm14, $0x1, v1  }
0x45: {  	vm15 =	veq.s32 v8, $0x0  }
0x46: {  	v7, _, _ =	vpop (xrf0);
	v46 =	vsel vm15, $0x1, v1;
	(xrf0) =	vadd.scan.msk.s32 $0xffff, v6  }
0x47: {  	(v2sf) =	vpush v7, $0xF;
	v6, _, _ =	vpop (xrf0);
	(xrf0) =	vadd.scan.msk.s32 $0xffff, v46  }
0x48: {  	v7, _, _ =	vpop (xrf0);
	(v2sf) =	vpush v6, $0xF  }
0x49: {  	vm4 =	veq.s32 v8, $0x1;
	v6, _, _ =	vpop (xrf0);
	(v2sf) =	vpush v7, $0xF  }
0x4a: {  	v7 =	vsel vm4, $0x1, v1;
	v8, _, _ =	vpop (xrf0);
	(v2sf) =	vpush v6, $0xF  }
0x4b: {  	(xrf0) =	vadd.scan.msk.s32 $0xffff, v7;
	v6, _, _ =	vpop (xrf0);
	(v2sf) =	vpush v8, $0xF  }
0x4c: {  	(v2sf) =	vpush v6, $0xF;
	v6, _, _ =	vpop (xrf0)  }
0x4d: {  	v7, _, _ =	vpop (xrf0);
	(v2sf) =	vpush v6, $0xF  }
0x4e: {  	(v2sf) =	vpush v7, $0xF;
	_ =	sdelay $0x1  }
0x4f: {  	s18 =	spop (v2sf)  }
0x50: {  	s30 =	spop (v2sf);
	v6, _, _ =	vpop (xrf0)  }
0x51: {  	s20 =	spop (v2sf);
	(v2sf) =	vpush v6, $0xF  }
0x52: {  	s21 =	spop (v2sf)  }
0x53: {  	s22 =	spop (v2sf)  }
0x54: {  	s23 =	spop (v2sf)  }
0x55: {  	s24 =	spop (v2sf)  }
0x56: {  	s25 =	spop (v2sf)  }
0x57: {  	s15 =	sadd.s32 s15, s18;
	s26 =	spop (v2sf)  }
0x58: {  	s18 =	simm.s32 $0x1;
	s16 =	sadd.s32 s16, s30;
	s31 =	spop (v2sf)  }
0x59: {  	s17 =	sadd.s32 s17, s20;
	s15 =	sadd.s32 s15, s21;
	s20 =	spop (v2sf)  }
0x5a: {  	s16 =	sadd.s32 s16, s22;
	s17 =	sadd.s32 s17, s23;
	s28 =	spop (v2sf)  }
0x5b: {  	s15 =	sadd.s32 s15, s24;
	s16 =	sadd.s32 s16, s25;
	s29 =	spop (v2sf)  }
0x5c: {  	s15 =	sadd.s32 s15, s31;
	s16 =	sadd.s32 s16, s20;
	s30 =	spop (v2sf)  }
0x5d: {  	s17 =	sadd.s32 s17, s26;
	s15 =	sadd.s32 s15, s29;
	s16 =	sadd.s32 s16, s30  }
0x5e: {  	s17 =	sadd.s32 s17, s28;
	s26 =	sadd.s32 $0x7F, s15;
	s16 =	sadd.s32 $0x7F, s16  }
0x5f: {  	s28 =	sand.u32 $0x7F, s26;
	s29 =	sshra.s32 s26, $0x1F;
	p5 =	slt.s32 s26, $0x1  }
0x60: {  	s31 =	spop (v2sf);
	s21 =	sshra.s32 s16, $0x1F;
	s22 =	sand.u32 $0x7F, s16  }
0x61: {  	p0 =	slt.s32 s16, $0x1;
	p6 =	sne.s32 s28, $0x0;
	s30 =	sshrl.u32 s29, $0x19  }
0x62: {  	s19 =	sshrl.u32 s21, $0x19;
	p1 =	sne.s32 s22, $0x0;
	s17 =	sadd.s32 s17, s31  }
0x63: {  	s31 =	sadd.s32 s30, s26;
	s16 =	sadd.s32 s19, s16;
	p0 =	por !p0, !p1  }
0x64: {  	s17 =	sadd.s32 $0x7F, s17;
	p0 =	por !p0, !p0;
	s16 =	sshra.s32 s16, $0x7  }
0x65: {  	s23 =	sand.u32 $0x7F, s17;
	s24 =	sshra.s32 s17, $0x1F;
	p3 =	slt.s32 s17, $0x1  }
0x66: {  	s18 =	simm.s32 @!p0 $0x0;
	p4 =	sne.s32 s23, $0x0;
	s25 =	sshrl.u32 s24, $0x19  }
0x67: {  	s16 =	ssub.s32 s16, s18;
	p0 =	por !p3, !p4;
	s17 =	sadd.s32 s25, s17  }
0x68: {  	s18 =	simm.s32 $0x1;
	p0 =	por !p0, !p0;
	s17 =	sshra.s32 s17, $0x7  }
0x69: {  	s15 =	sshll.u32 s16, $0x7;
	s18 =	simm.s32 @!p0 $0x0;
	p0 =	por !p5, !p6  }
0x6a: {  	s19 =	simm.s32 $0x1;
	v7 =	vmov s15;
	s17 =	ssub.s32 s17, s18;
	p0 =	por !p0, !p0  }
0x6b: {  	s18 =	sshrl.u32 s31, $0x7;
	vm5 =	vlt.s32 v7, v3;
	s17 =	sadd.s32 s16, s17;
	s19 =	simm.s32 @!p0 $0x0  }
0x6c: {  	vm8 =	vlt.s32 v7, v4;
	vm10 =	vlt.s32 v7, v5;
	v6 =	vsel vm5, $0x1, v1;
	s16 =	sshll.u32 s17, $0x7;
	s18 =	ssub.s32 s18, s19  }
0x6d: {  	v11 =	vsel vm8, $0x1, v1;
	v51 =	vsel vm10, $0x1, v1;
	v8 =	vmov s16;
	s17 =	sadd.s32 s17, s18  }
0x6e: {  	vm6 =	vlt.s32 v8, v3;
	s17 =	sshll.u32 s17, $0x7;
	vm2 =	vlt.s32 v8, v4;
	vm11 =	vlt.s32 v8, v5  }
0x6f: {  	v47 =	vsel vm6, $0x1, v1;
	v48 =	vmov s17;
	v12 =	vsel vm2, $0x1, v1  }
0x70: {  	v13 =	vsel vm11, $0x1, v1;
	v6 =	vadd.s32 v6, v47;
	vm7 =	vlt.s32 v48, v3  }
0x71: {  	v49 =	vadd.s32 v11, v12;
	vm9 =	vlt.s32 v48, v4;
	v10 =	vsel vm7, $0x1, v1  }
0x72: {  	vm12 =	vlt.s32 v48, v5;
	v50 =	vsel vm9, $0x1, v1;
	v6 =	vadd.s32 v10, v6  }
0x73: {  	v52 =	vadd.s32 v51, v13;
	v53 =	vsel vm12, $0x1, v1;
	[tilespmem:$0x3480] =	vst v6;
	v6 =	vadd.s32 v50, v49  }
0x74: {  	[tilespmem:$0x3490] =	vst v6;
	v6 =	vadd.s32 v53, v52  }
0x75: {  	s19 =	simm.s32 $0x0;
	[tilespmem:$0x34A0] =	vst v6  }
0x76: {  	v6 =	vld [tilespmem:s19+$0x0];
	_ =	sdelay $0x7  }
0x77: {  	v54 =	vld.idx.msk [tilespmem:v6+s10+$0x0], $0xffff;
	_ =	sdelay $0x4  }
0x78: {  	vm13 =	veq.s32 v54, $0x0  }
0x79: {  	vm14 =	veq.s32 v54, $0x1;
	v55 =	vsel vm13, $0x1, v1  }
0x7a: {  	vm15 =	veq.s32 v54, $0x2;
	v56 =	vsel vm14, $0x1, v1;
	(xrf0) =	vadd.scan.msk.s32 $0xffff, v55  }
0x7b: {  	vm3 =	veq.s32 v54, $0x3;
	v57 =	vsel vm15, $0x1, v1;
	(xrf0) =	vadd.scan.msk.s32 $0xffff, v56  }
0x7c: {  	v10 =	vsel vm3, $0x1, v1;
	(xrf0) =	vadd.scan.msk.s32 $0xffff, v57  }
0x7d: {  	v58 =	vmov s19;
	(xrf0) =	vadd.scan.msk.s32 $0xffff, v10  }
0x7e: {  	v59 =	vadd.s32 $0xFFFFFFFF, v58  }
0x7f: {  	v7 =	vadd.s32 $0xFFFFFFFF, v7;
	v8 =	vadd.s32 $0xFFFFFFFF, v8;
	v10 =	vbroadcast v59, $0x0  }
0x80: {  	v7 =	vbroadcast v7, $0x0;
	v8 =	vbroadcast v8, $0x0;
	v9 =	vadd.s32 $0xFFFFFFFF, v48;
	v60, _, _ =	vpop (xrf0)  }
0x81: {  	v9 =	vbroadcast v9, $0x0;
	v10 =	vadd.s32 v10, v60;
	(v2sf) =	vpush v60, $0xF;
	v61, _, _ =	vpop (xrf0)  }
0x82: {  	v10 =	vnsel vm13, $0x0, v10;
	v7 =	vadd.s32 v7, v61;
	v62, _, _ =	vpop (xrf0);
	(v2sf) =	vpush v61, $0xF  }
0x83: {  	v7 =	vsel vm14, v7, v10;
	v8 =	vadd.s32 v8, v62;
	v63, _, _ =	vpop (xrf0);
	(v2sf) =	vpush v62, $0xF  }
0x84: {  	v7 =	vsel vm15, v8, v7;
	v8 =	vadd.s32 v9, v63;
	(v2sf) =	vpush v63, $0xF  }
0x85: {  	s20 =	simm.s32 $0x0;
	v7 =	vsel vm3, v8, v7  }
0x86: {  	s22 =	simm.s32 $0x20;
	s21 =	simm.s32 $0x0;
	s18 =	simm.s32 $0x10  }
.LBB2_7:
0x87: {  	p0 =	sne.s32 s22, $0xFF0;
	_ =	sdelay $0x1  }
0x88: {  	v8 =	vor.u32 s19, v0;
	s19 =	smov.u32 s18;
	s18 =	smov.u32 s22  }
0x89: {  	[tilespmem:v7+s11+$0x0] =	vst.idx.msk $0xffff, v8  }
0x8a: {  	s21 =	sadd.s32 $0x10, s21;
	[tilespmem:v7+s12+$0x0] =	vst.idx.msk $0xffff, v6  }
0x8b: {  	v6 =	vld [tilespmem:s21+$0x0];
	_ =	sdelay $0x3  }
0x8c: {  	s23 =	spop (v2sf)  }
0x8d: {  	s20 =	sadd.s32 s20, s23;
	s23 =	spop (v2sf)  }
0x8e: {  	s15 =	sadd.s32 s15, s23;
	s23 =	spop (v2sf)  }
0x8f: {  	s16 =	sadd.s32 s16, s23;
	s23 =	spop (v2sf)  }
0x90: {  	v7 =	vld.idx.msk [tilespmem:v6+s10+$0x0], $0xffff;
	s17 =	sadd.s32 s17, s23;
	_ =	sdelay $0x5  }
0x91: {  	vm3 =	veq.s32 v7, $0x0  }
0x92: {  	vm2 =	veq.s32 v7, $0x1;
	v8 =	vsel vm3, $0x1, v1  }
0x93: {  	vm0 =	veq.s32 v7, $0x2;
	v9 =	vsel vm2, $0x1, v1;
	(xrf0) =	vadd.scan.msk.s32 $0xffff, v8  }
0x94: {  	vm1 =	veq.s32 v7, $0x3;
	v8 =	vsel vm0, $0x1, v1;
	(xrf0) =	vadd.scan.msk.s32 $0xffff, v9  }
0x95: {  	v7 =	vsel vm1, $0x1, v1;
	(xrf0) =	vadd.scan.msk.s32 $0xffff, v8  }
0x96: {  	v9 =	vmov s17;
	v8 =	vmov s20;
	(xrf0) =	vadd.scan.msk.s32 $0xffff, v7  }
0x97: {  	v9 =	vadd.s32 $0xFFFFFFFF, v9;
	v7 =	vadd.s32 $0xFFFFFFFF, v8;
	v8 =	vmov s15  }
0x98: {  	v10 =	vmov s16;
	v7 =	vbroadcast v7, $0x0;
	v8 =	vadd.s32 $0xFFFFFFFF, v8  }
0x99: {  	v10 =	vadd.s32 $0xFFFFFFFF, v10;
	v9 =	vbroadcast v9, $0x0;
	v8 =	vbroadcast v8, $0x0;
	v11, _, _ =	vpop (xrf0)  }
0x9a: {  	v12 =	vbroadcast v10, $0x0;
	v7 =	vadd.s32 v7, v11;
	(v2sf) =	vpush v11, $0xF;
	v11, _, _ =	vpop (xrf0)  }
.Ltmp3:
0x9b: {  	v7 =	vnsel vm3, $0x0, v7;
	v8 =	vadd.s32 v8, v11;
	(v2sf) =	vpush v11, $0xF;
	v11, _, _ =	vpop (xrf0);
	(pc) =	sbr.rel @p0 .LBB2_7-.Ltmp3, $4  }
0x9c: {  	v7 =	vsel vm2, v8, v7;
	v8 =	vadd.s32 v12, v11;
	(v2sf) =	vpush v11, $0xF;
	v10, _, _ =	vpop (xrf0)  }
0x9d: {  	v7 =	vsel vm0, v8, v7;
	v8 =	vadd.s32 v9, v10;
	(v2sf) =	vpush v10, $0xF  }
0x9e: {  	v7 =	vsel vm1, v8, v7  }
0x9f: {  	s22 =	sadd.s32 $0x10, s22  }
0xa0: {  	_ =	sdelay $0x2  }
0xa1: {  	v8 =	vor.u32 s19, v0  }
0xa2: {  	[tilespmem:v7+s11+$0x0] =	vst.idx.msk $0xffff, v8  }
0xa3: {  	s21 =	sadd.s32 $0x10, s21;
	[tilespmem:v7+s12+$0x0] =	vst.idx.msk $0xffff, v6  }
0xa4: {  	v6 =	vld [tilespmem:s21+$0x0];
	_ =	sdelay $0x7  }
0xa5: {  	v7 =	vld.idx.msk [tilespmem:v6+s10+$0x0], $0xffff;
	_ =	sdelay $0x4  }
0xa6: {  	vm0 =	veq.s32 v7, $0x0  }
0xa7: {  	vm1 =	veq.s32 v7, $0x1;
	v56 =	vsel vm0, $0x1, v1  }
0xa8: {  	vm2 =	veq.s32 v7, $0x2;
	v9 =	vsel vm1, $0x1, v1;
	(xrf0) =	vadd.scan.msk.s32 $0xffff, v56  }
0xa9: {  	vm3 =	veq.s32 v7, $0x3;
	v57 =	vsel vm2, $0x1, v1;
	(xrf0) =	vadd.scan.msk.s32 $0xffff, v9  }
0xaa: {  	s22 =	spop (v2sf);
	v7 =	vsel vm3, $0x1, v1;
	(xrf0) =	vadd.scan.msk.s32 $0xffff, v57  }
0xab: {  	s19 =	sadd.s32 s20, s22;
	(xrf0) =	vadd.scan.msk.s32 $0xffff, v7  }
0xac: {  	s23 =	spop (v2sf);
	v11 =	vmov s19  }
0xad: {  	s24 =	spop (v2sf);
	s15 =	sadd.s32 s15, s23;
	v11 =	vadd.s32 $0xFFFFFFFF, v11  }
0xae: {  	s25 =	spop (v2sf);
	s16 =	sadd.s32 s16, s24;
	v12 =	vmov s15;
	v11 =	vbroadcast v11, $0x0;
	v7, _, _ =	vpop (xrf0)  }
0xaf: {  	s26 =	sadd.s32 s17, s25;
	v12 =	vadd.s32 $0xFFFFFFFF, v12;
	v13 =	vmov s16;
	(v2sf) =	vpush v7, $0xF;
	v58, _, _ =	vpop (xrf0)  }
0xb0: {  	v14 =	vmov s26;
	v12 =	vbroadcast v12, $0x0;
	(v2sf) =	vpush v58, $0xF;
	v59, _, _ =	vpop (xrf0)  }
0xb1: {  	v13 =	vadd.s32 $0xFFFFFFFF, v13;
	v60 =	vadd.s32 $0xFFFFFFFF, v14;
	(v2sf) =	vpush v59, $0xF;
	v10, _, _ =	vpop (xrf0)  }
0xb2: {  	v13 =	vbroadcast v13, $0x0;
	v7 =	vadd.s32 v11, v7;
	(v2sf) =	vpush v10, $0xF  }
0xb3: {  	v11 =	vbroadcast v60, $0x0;
	v8 =	vadd.s32 v12, v58;
	v7 =	vnsel vm0, $0x0, v7  }
0xb4: {  	v7 =	vsel vm1, v8, v7;
	v61 =	vadd.s32 v13, v59  }
0xb5: {  	v7 =	vsel vm2, v61, v7;
	v62 =	vadd.s32 v11, v10  }
0xb6: {  	v7 =	vsel vm3, v62, v7;
	_ =	sdelay $0x3  }
0xb7: {  	v63 =	vor.u32 s18, v0  }
0xb8: {  	[tilespmem:v7+s11+$0x0] =	vst.idx.msk $0xffff, v63  }
0xb9: {  	[tilespmem:v7+s12+$0x0] =	vst.idx.msk $0xffff, v6  }
0xba: {  	[hbm4b:s5+s8] =	stream.linear.scatter [tilespmem:s11], [sflag:$0x1], $0x1200, $0x38;
	[tilespmem:$0x3500] =	vst v63  }
0xbb: {  	s28 =	spop (v2sf)  }
0xbc: {  	s29 =	spop (v2sf)  }
0xbd: {  	s30 =	spop (v2sf)  }
0xbe: {  	s31 =	spop (v2sf)  }
0xbf: {  	_ =	swait.ge [sflag:s9], $0x1200  }
0xc0: {  	[sflag:s9] =	ssyncset.done $0x0  }
0xc1: {  	[sflag:s9] =	ssyncadd.s32 $0xFFFFEE00  }
0xc2: {  	[hbm4b:s6+s8] =	stream.linear.scatter [tilespmem:s12], [sflag:$0x1], $0x1200, $0x38;
	[tilespmem:$0x3500] =	vst v63  }
0xc3: {  	s14 =	sadd.s32 $0x1, s14;
	_ =	swait.ge [sflag:s9], $0x1200  }
0xc4: {  	p0 =	sne.s32 s14, s7;
	[sflag:s9] =	ssyncset.done $0x0  }
.Ltmp4:
0xc5: {  	[sflag:s9] =	ssyncadd.s32 $0xFFFFEE00;
	(pc) =	sbr.rel @p0 .LBB2_2-.Ltmp4, $4  }
0xc6: {  	[hbm4b:s4+s8] =	stream.linear.scatter [tilespmem:s13], [sflag:$0x1], $0x80, $0x38;
	[tilespmem:$0x3500] =	vst v63  }
0xc7: {  	_ =	swait.ge [sflag:s9], $0x80  }
0xc8: {  	[sflag:s9] =	ssyncset.done $0x0  }
0xc9: {  	[sflag:s9] =	ssyncadd.s32 $0xFFFFFF80  }
.LBB2_9:
0xca: {  	_ =	sfence.sel $0x180000  }
0xcb: {  	[bflag:$0x0] =	sbarrier.arrive $0xFFFF  }
0xcc: {  	p0 =	sne.s32 s1, $0x0;
	_ =	strace $0x90000047  }
0xcd: {  	s0 =	sadd.s32 @!p0 $0x100000, s3;
	[bflag:$0x2] =	sbarrier.arrive $0xFFFF  }
0xce: {  	[sflag:s0] =	ssyncadd.tile.s32 @!p0 $0x1;
	_ =	shalt  }
.Lfunc_end2:
_tile_overlayer_lowered:
.L_overlay_start_2:
0xcf: {  	(tag) =	ssettag $0x2  }
0xd0: {  	s0 =	rddreg [dreg:$0x0];
	s2 =	stileid.u32  }
0xd1: {  	s1 =	rddreg [dreg:$0x1];
	p0 =	sne.s32 s2, $0x0  }
0xd2: {  	s3 =	rddreg [dreg:$0x2];
	[bflag:$0x3] =	sbarrier.arrive $0xFFFF;
	s2 =	simm.s32 @!p0 $0x1C01  }
0xd3: {  	[timem:s3], [sflag:s2] =	dma.local @!p0 [hbm:s0], s1  }
0xd4: {  	s0 =	simm.s32 @!p0 $0x1  }
0xd5: {  	_ =	swait.ge @!p0 [sflag:s0], s1  }
0xd6: {  	s1 =	ssub.s32 @!p0 $0x0, s1;
	[sflag:s0] =	ssyncset.done @!p0 $0x0  }
0xd7: {  	[sflag:s0] =	ssyncadd.s32 @!p0 s1  }
0xd8: {  	[bflag:$0x3] =	sbarrier.arrive $0xFFFF  }
0xd9: {  	_ =	shalt  }

// kernel: kernel.13.cloned.1.call-start
scs
__scs_entry_jumppad:
0x0: {  	(pc) =	sbr.rel $0x88, $3  }
0x1: {  	(tag) =	ssettag $0x0;
	lr =	simm.s32 $0x1  }
0x2: {  	[smem:$0x3F9A] =	sst lr;
	_ =	strace $0xD0000000  }
0x3: {  	_ = 	snop  }
0x4: {  	_ = 	snop  }
0x5: {  	_ = 	snop  }
0x6: {  	_ = 	snop  }
0x7: {  	_ = 	snop  }
__scs_overlays_trampoline_lowered:
0x8: {  	[smem:$0x3FA9] =	sst s0  }
0x9: {  	[smem:$0x3FAA] =	sst s1  }
0xa: {  	[smem:$0x3FAB] =	sst s2  }
0xb: {  	[smem:$0x3FAC] =	sst s3  }
0xc: {  	[smem:$0x3FAD] =	sst s4  }
0xd: {  	[smem:$0x3FAE] =	sst s5  }
0xe: {  	[smem:$0x3FAF] =	sst s6  }
0xf: {  	[smem:$0x3FB0] =	sst s7  }
0x10: {  	[smem:$0x3FB1] =	sst s8  }
0x11: {  	[smem:$0x3FB2] =	sst s9;
	s0 =	simm.s32 @!p0 $0x0  }
0x12: {  	s1 =	sld [smem:$0x3F98];
	s0 =	simm.s32 @p0 $0x1  }
0x13: {  	[smem:$0x3FB3] =	sst s0;
	s0 =	simm.s32 @!p1 $0x0  }
0x14: {  	s2 =	sld [smem:$0x3F97];
	s0 =	simm.s32 @p1 $0x1  }
0x15: {  	[smem:$0x3FB4] =	sst s0;
	s0 =	simm.s32 @!p2 $0x0  }
0x16: {  	s3 =	sld [smem:$0x3FDB];
	s0 =	simm.s32 @p2 $0x1  }
0x17: {  	s4 =	simm.s32 $0x1BF5;
	[smem:$0x3FB6] =	sst s0  }
0x18: {  	s0 =	sld [smem:$0x3F99];
	_ =	swait.ge [sflag:s4], $0x0  }
0x19: {  	s7 =	sld [smem:$0x3F9A]  }
0x1a: {  	s8 =	sadd.s32 $0xFFFFE003, lr  }
0x1b: {  	s9 =	sadd.s32 $0xFFFFFEF7, lr;
	s5 =	simm.s32 $0xFFFFFFFF;
	p2 =	slt.u32 s8, $0xFFFFF086  }
0x1c: {  	p1 =	slt.u32 s9, $0xF7A;
	s5 =	simm.s32 @!p2 $0x0  }
0x1d: {  	s5 =	simm.s32 @p1 $0x1;
	p0 =	seq.s32 s7, s2  }
0x1e: {  	s7 =	smul.u32 @!p0 $0xF7A, s2;
	p2 =	seq.s32 @!p0 s5, $0x0  }
0x1f: {  	s9 =	smul.u32 $0xF7A, s1;
	s8 =	simm.s32 @!p0 $0x1BF5;
	p2 =	por !p2, p0  }
0x20: {  	[sflag:s8] =	ssyncset.s32 @!p0 $0xFFFFF086;
	s6 =	sadd.s32 @!p0 s3, s7;
	s7 =	simm.s32 @!p0 $0x108  }
0x21: {  	s3 =	sadd.s32 s3, s9;
	s6 =	sadd.s32 @!p0 $0x88, s6;
	s7 =	simm.s32 @p2 $0x1082  }
0x22: {  	[simem:s7], [sflag:s8] =	dma.local @!p0 [hbm:s6], $0xF7A  }
0x23: {  	s9 =	sor.u32 $0xD0000000, s2;
	s6 =	simm.s32 $0x108;
	_ =	swait.ge @!p0 [sflag:s8], $0x0  }
0x24: {  	s3 =	sadd.s32 $0x88, s3;
	s6 =	simm.s32 @!p1 $0x1082;
	[sflag:s4] =	ssyncset.s32 $0xFFFFF086  }
0x25: {  	[simem:s6], [sflag:s4] =	dma.local [hbm:s3], $0xF7A  }
0x26: {  	[smem:$0x3F9A] =	sst s1;
	(tag) =	ssettag s2;
	_ =	strace s9  }
0x27: {  	s1 =	sld [smem:$0x3FAA]  }
0x28: {  	s2 =	sld [smem:$0x3FAB]  }
0x29: {  	s4 =	sld [smem:$0x3FAD]  }
0x2a: {  	p0 =	seq.s32 s5, $0x0;
	s5 =	sld [smem:$0x3FAE]  }
0x2b: {  	s6 =	sld [smem:$0x3FAF]  }
0x2c: {  	s7 =	sld [smem:$0x3FB0]  }
0x2d: {  	s3 =	simm.s32 $0x108;
	s8 =	sld [smem:$0x3FB1]  }
0x2e: {  	s3 =	simm.s32 @!p0 $0x1082;
	s9 =	sld [smem:$0x3FB2]  }
0x2f: {  	lr =	sadd.s32 s0, s3;
	s0 =	sld [smem:$0x3FA9]  }
0x30: {  	s3 =	sld [smem:$0x3FAC]  }
0x31: {  	[smem:$0x3FB5] =	sst s10  }
0x32: {  	s10 =	sld [smem:$0x3FB3];
	_ =	sdelay $0x3  }
0x33: {  	p0 =	seq.s32 s10, $0x1;
	s10 =	sld [smem:$0x3FB5];
	_ =	sdelay $0x3  }
0x34: {  	[smem:$0x3FB5] =	sst s10  }
0x35: {  	s10 =	sld [smem:$0x3FB4];
	_ =	sdelay $0x3  }
0x36: {  	p1 =	seq.s32 s10, $0x1;
	s10 =	sld [smem:$0x3FB5];
	_ =	sdelay $0x3  }
0x37: {  	[smem:$0x3FB5] =	sst s10  }
0x38: {  	s10 =	sld [smem:$0x3FB6]  }
0x39: {  	_ = 	snop;
	(pc) =	sbr.ind lr, $3  }
0x3a: {  	_ = 	snop  }
0x3b: {  	_ = 	snop  }
0x3c: {  	p2 =	seq.s32 s10, $0x1;
	s10 =	sld [smem:$0x3FB5]  }
0x3d: {  	_ =	shalt  }
0x3e: {  	_ =	shalt  }
0x3f: {  	_ =	shalt  }
0x40: {  	_ =	shalt  }
0x41: {  	_ =	shalt  }
0x42: {  	_ =	shalt  }
0x43: {  	_ =	shalt  }
0x44: {  	_ =	shalt  }
0x45: {  	_ =	shalt  }
0x46: {  	_ =	shalt  }
0x47: {  	_ =	shalt  }
0x48: {  	_ =	shalt  }
0x49: {  	_ =	shalt  }
0x4a: {  	_ =	shalt  }
0x4b: {  	_ =	shalt  }
0x4c: {  	_ =	shalt  }
0x4d: {  	_ =	shalt  }
0x4e: {  	_ =	shalt  }
0x4f: {  	_ =	shalt  }
0x50: {  	_ =	shalt  }
0x51: {  	_ =	shalt  }
0x52: {  	_ =	shalt  }
0x53: {  	_ =	shalt  }
0x54: {  	_ =	shalt  }
0x55: {  	_ =	shalt  }
0x56: {  	_ =	shalt  }
0x57: {  	_ =	shalt  }
0x58: {  	_ =	shalt  }
0x59: {  	_ =	shalt  }
0x5a: {  	_ =	shalt  }
0x5b: {  	_ =	shalt  }
0x5c: {  	_ =	shalt  }
0x5d: {  	_ =	shalt  }
0x5e: {  	_ =	shalt  }
0x5f: {  	_ =	shalt  }
0x60: {  	_ =	shalt  }
0x61: {  	_ =	shalt  }
0x62: {  	_ =	shalt  }
0x63: {  	_ =	shalt  }
0x64: {  	_ =	shalt  }
0x65: {  	_ =	shalt  }
0x66: {  	_ =	shalt  }
0x67: {  	_ =	shalt  }
0x68: {  	_ =	shalt  }
0x69: {  	_ =	shalt  }
0x6a: {  	_ =	shalt  }
0x6b: {  	_ =	shalt  }
0x6c: {  	_ =	shalt  }
0x6d: {  	_ =	shalt  }
0x6e: {  	_ =	shalt  }
0x6f: {  	_ =	shalt  }
0x70: {  	_ =	shalt  }
0x71: {  	_ =	shalt  }
0x72: {  	_ =	shalt  }
0x73: {  	_ =	shalt  }
0x74: {  	_ =	shalt  }
0x75: {  	_ =	shalt  }
0x76: {  	_ =	shalt  }
0x77: {  	_ =	shalt  }
0x78: {  	_ =	shalt  }
0x79: {  	_ =	shalt  }
0x7a: {  	_ =	shalt  }
0x7b: {  	_ =	shalt  }
0x7c: {  	_ =	shalt  }
0x7d: {  	_ =	shalt  }
0x7e: {  	_ =	shalt  }
0x7f: {  	_ =	shalt  }
0x80: {  	_ =	shalt  }
0x81: {  	_ =	shalt  }
0x82: {  	_ =	shalt  }
0x83: {  	_ =	shalt  }
0x84: {  	_ =	shalt  }
0x85: {  	_ =	shalt  }
0x86: {  	_ =	shalt  }
0x87: {  	_ =	shalt  }
.Lfunc_end0:
.L_simem_size_0:
called_computation.1_lowered:
.L_overlay_start_0:
0x88: {  	s2 =	sld [smem:$0x3FD9]  }
0x89: {  	s3 =	sld [smem:$0x3FFE];
	_ =	sdelay $0x1  }
0x8a: {  	s1 =	srdreg.scid  }
0x8b: {  	s0 =	sand.u32 $0x1, s1  }
0x8c: {  	s17 =	sshll.u32 s0, $0xA;
	s2 =	sadd.s32 s3, s2  }
0x8d: {  	s2 =	sadd.s32 s2, s17  }
0x8e: {  	[smem:$0x3FC1] =	sst s2  }
0x8f: {  	_ = 	snop  }
0x90: {  	(tm) =	ssettm $0x1  }
0x91: {  	s18 =	sld [smem:$0x3FFB];
	_ =	sdelay $0x3  }
0x92: {  	_ =	strace s18  }
0x93: {  	s2 =	sld [smem:$0x3FFC];
	_ =	sdelay $0x3  }
0x94: {  	_ =	strace s2  }
0x95: {  	s2 =	sld [smem:$0x3FFD];
	_ =	sdelay $0x3  }
0x96: {  	_ =	strace s2  }
0x97: {  	_ =	strace $0x8FFFFFFF  }
0x98: {  	s19 =	sld [smem:$0x3FDB];
	_ =	sdelay $0x1  }
0x99: {  	s20 =	simm.s32 $_scs_section_size  }
0x9a: {  	s4 =	simm.s32 $_size__tile_overlayer_lowered;
	s5 =	simm.s32 $_tile_overlayer_lowered  }
0x9b: {  	s6 =	simm.s32 $0x1BFF;
	s21 =	sshll.u32 s5, $0x1;
	s3 =	sadd.s32 s20, s19  }
0x9c: {  	s22 =	simm.s32 $0x0;
	s4 =	sshll.u32 s4, $0x1;
	s5 =	sadd.s32 s21, s3  }
0x9d: {  	[timem:s22], [sflag:s6] =	dma.local [hbm:s5], s4  }
0x9e: {  	_ =	swait.ge [sflag:s6], s4  }
0x9f: {  	s4 =	ssub.s32 $0x0, s4;
	[sflag:s6] =	ssyncset.done $0x0  }
0xa0: {  	[sflag:s6] =	ssyncadd.s32 s4;
	_ =	sdelay $0x1  }
0xa1: {  	s23 =	simm.s32 $0x1B8B  }
0xa2: {  	_ =	swait.ge [sflag:s23], $0x1  }
0xa3: {  	[sflag:s23] =	ssyncset.done $0x0  }
0xa4: {  	[sflag:s23] =	ssyncadd.s32 $0xFFFFFFFF  }
0xa5: {  	s4 =	sld [smem:$0x0]  }
0xa6: {  	s5 =	sand.u32 $0xFFFFFFFE, s1  }
0xa7: {  	p0 =	sne.s32 s1, s5  }
0xa8: {  	s5 =	sshll.u32 @p0 s5, $0xE  }
0xa9: {  	s5 =	sadd.s32 @p0 $0x11B8D, s5;
	s6 =	sshll.u32 @p0 s4, $0x11  }
0xaa: {  	s5 =	sor.u32 @p0 s6, s5  }
0xab: {  	[sflag:s5] =	ssyncadd.remote.s32 @p0 $0x1;
	_ =	sdelay $0x1  }
0xac: {  	s5 =	simm.s32 @p0 $0x1B8D  }
0xad: {  	_ =	swait.eq @p0 [sflag:s5], $0x1  }
0xae: {  	[sflag:s5] =	ssyncadd.s32 @p0 $0xFFFFFFFF  }
0xaf: {  	s6 =	sshll.u32 @!p0 s1, $0xE  }
0xb0: {  	s6 =	sor.u32 @!p0 $0x4000, s6;
	s5 =	simm.s32 @!p0 $0x1B8D  }
0xb1: {  	s4 =	sshll.u32 @!p0 s4, $0x11;
	s6 =	sadd.s32 @!p0 $0x11B8D, s6;
	_ =	swait.eq @!p0 [sflag:s5], $0x1  }
0xb2: {  	s4 =	sor.u32 @!p0 s4, s6;
	[sflag:s5] =	ssyncadd.s32 @!p0 $0xFFFFFFFF  }
0xb3: {  	s25 =	simm.s32 $0x1B8E;
	s24 =	sld [smem:$0x3FFE];
	[sflag:s4] =	ssyncadd.remote.s32 @!p0 $0x1  }
0xb4: {  	s26 =	simm.s32 $execute0_lowered;
	[smem:$0x3FD2] =	sst s25  }
0xb5: {  	s5 =	sshll.u32 s26, $0x1;
	_ =	strace $0x8000004F;
	[dreg:$0x1] =	wrdreg $0xFFFFFFFF  }
0xb6: {  	s28 =	simm.s32 $_size_execute0_lowered;
	s3 =	sadd.s32 s3, s5;
	[dreg:$0x0] =	wrdreg $0x0  }
0xb7: {  	s5 =	sshll.u32 s28, $0x1;
	[dreg:$0x2] =	wrdreg s3  }
0xb8: {  	[dreg:$0x3] =	wrdreg s5  }
0xb9: {  	[dreg:$0x4] =	wrdreg $0xC0  }
0xba: {  	_ =	task [dreg:s22], $0x5FFFF  }
0xbb: {  	[dreg:$0x1] =	wrdreg $0xFFFFFFFF  }
0xbc: {  	[dreg:$0x0] =	wrdreg $0x60  }
0xbd: {  	[dreg:$0x2] =	wrdreg s24  }
0xbe: {  	[dreg:$0x3] =	wrdreg $0x9  }
0xbf: {  	_ =	task.clear_ibuf [dreg:s22], $0x4FFFF;
	_ =	strace $0x9000004F  }
0xc0: {  	s29 =	simm.s32 $0x9;
	_ =	strace $0x80000051  }
0xc1: {  	_ =	swait.ge [sflag:s29], $0x1  }
0xc2: {  	[sflag:s29] =	ssyncadd.s32 $0xFFFFFFFF  }
0xc3: {  	_ =	strace $0x90000051  }
0xc4: {  	_ =	sfence  }
0xc5: {  	s30 =	sld [smem:$0x0];
	_ =	sdelay $0x2  }
0xc6: {  	s31 =	sshll.u32 s1, $0xD;
	s1 =	sshrl.u32 s1, $0x2  }
0xc7: {  	s4 =	sand.u32 $0x4000, s31;
	s1 =	sadd.s32 s1, s30  }
0xc8: {  	s0 =	sor.u32 s4, s0;
	s1 =	sshll.u32 s1, $0x11  }
0xc9: {  	s0 =	sor.u32 s1, s0  }
0xca: {  	s0 =	sadd.s32 $0x8F2B, s0  }
0xcb: {  	[sflag:s0] =	ssyncadd.remote.s32 $0x1  }
0xcc: {  	_ =	sfence.sel $0xFFFF  }
0xcd: {  	[dreg:$0x0] =	wrdreg $0xFFFFFFFF;
	(pc) =	sbr.abs _section_cstart, $3  }
0xce: {  	[dreg:$0x1] =	wrdreg $0xFFFFFFFF  }
0xcf: {  	_ =	task.clear_ibuf [dreg:s22], $0x2FFFF;
	_ =	strace $0x9FFFFFFF  }
0xd0: {  	(tm) =	ssettm $0x7FFFFFFF  }
0xd1: {  	_ =	shalt  }
tec
execute0_lowered:
.L_overlay_start_1:
0x0: {  	(tag) =	ssettag $0x1  }
0x1: {  	s1 =	srdreg.scid  }
0x2: {  	s0 =	stileid.u32;
	s5 =	rddreg [dreg:$0x0]  }
0x3: {  	s2 =	simm.s32 $0x0;
	s10 =	simm.s32 $0x880;
	s11 =	simm.s32 $0x1080  }
0x4: {  	s12 =	simm.s32 $0x1880;
	s13 =	simm.s32 $0x2080;
	s14 =	simm.s32 $0x2880  }
0x5: {  	s15 =	simm.s32 $0x3080;
	s16 =	simm.s32 $0x3880;
	s17 =	simm.s32 $0x4080  }
0x6: {  	s18 =	simm.s32 $0x4880;
	s19 =	simm.s32 $0x5080;
	s20 =	simm.s32 $0x5880  }
0x7: {  	s3 =	sand.u32 $0x1, s1;
	s31 =	sshll.u32 s0, $0x1;
	s1 =	rddreg [dreg:$0x1]  }
0x8: {  	s21 =	simm.s32 $0x1;
	[smem:$0x7FF] =	sst s2;
	s4 =	sor.u32 s3, s31  }
0x9: {  	s7 =	ssub.s32 $0x2, s3;
	_ =	strace $0x80000050;
	s6 =	smul.u32 $0x6, s4  }
0xa: {  	s3 =	sadd.s32 $0x4000, s5;
	s4 =	smul.u32 $0xC00, s4;
	s8 =	sshrl.u32 s7, $0x1  }
0xb: {  	v2 =	vlaneseq.u32;
	s7 =	ssub.s32 s7, s8;
	s8 =	simm.s32 $0x2;
	s6 =	sadd.s32 s6, s5  }
0xc: {  	vm0 =	vmmov $0xffff;
	v1 =	vshrl.u32 v2, $0x3;
	s9 =	sadd.s32 s4, s5;
	s5 =	sadd.s32 $0x4100, s5;
	s7 =	smax.u32 s7, $0x1  }
0xd: {  	v0 =	vand.u32 $0x7, v2;
	v2 =	vor.u32 $0x8, v2;
	v1 =	vmul.u32 $0x8, v1;
	s4 =	sadd.s32 $0x3C00, s6;
	s6 =	sadd.s32 $0x74000, s9;
	s9 =	simm.s32 $0x80  }
.LBB2_1:
0xe: {  	[tilespmem:s2], [sflag:$0x2] =	stream.linear.gather [hbm4b:s4+s2], $0x30, $0x38;
	[tilespmem:$0x6080] =	vst v63  }
0xf: {  	_ =	swait.ge [sflag:s8], $0x30  }
0x10: {  	[sflag:s8] =	ssyncset.done $0x0  }
0x11: {  	[sflag:s8] =	ssyncadd.s32 $0xFFFFFFD0  }
0x12: {  	v3 =	vld [tilespmem:$0x0];
	_ =	sdelay $0x4  }
0x13: {  	v4 =	vshll.u32 v3, $0x2  }
0x14: {  	v3 =	vand.u32 $0x7, v3;
	v4 =	vand.u32 $0xFFFFFFE0, v4  }
0x15: {  	v3 =	vor.u32 v3, v4  }
0x16: {  	v4 =	vperm.xlane v3, v0;
	_ =	sdelay $0x1  }
0x17: {  	v4 =	vadd.s32 v1, v4;
	_ =	sdelay $0x1  }
0x18: {  	v3 =	vperm.xlane v3, v2;
	_ =	sdelay $0x1  }
0x19: {  	v3 =	vadd.s32 v1, v3  }
0x1a: {  	[tilespmem:s9], [sflag:$0x1] =	stream.indirect_vreg.gather [hbm4b:s3+s2], $0x80, v4, vm0, $0xb8;
	[tilespmem:$0x6080] =	vst v63  }
0x1b: {  	_ = 	snop  }
0x1c: {  	[tilespmem:s10], [sflag:$0x1] =	stream.indirect_vreg.gather [hbm4b:s5+s2], $0x80, v4, vm0, $0xb8;
	[tilespmem:$0x6080] =	vst v63  }
0x1d: {  	_ = 	snop  }
0x1e: {  	[tilespmem:s11], [sflag:$0x1] =	stream.indirect_vreg.gather [hbm4b:s3+s2], $0x80, v3, vm0, $0xb8;
	[tilespmem:$0x6080] =	vst v63  }
0x1f: {  	_ = 	snop  }
0x20: {  	[tilespmem:s12], [sflag:$0x1] =	stream.indirect_vreg.gather [hbm4b:s5+s2], $0x80, v3, vm0, $0xb8;
	[tilespmem:$0x6080] =	vst v63  }
0x21: {  	v3 =	vld [tilespmem:$0x10];
	_ =	sdelay $0x4  }
0x22: {  	v62 =	vshll.u32 v3, $0x2  }
0x23: {  	v3 =	vand.u32 $0x7, v3;
	v4 =	vand.u32 $0xFFFFFFE0, v62  }
0x24: {  	v3 =	vor.u32 v3, v4  }
0x25: {  	v4 =	vperm.xlane v3, v0;
	_ =	sdelay $0x1  }
0x26: {  	v4 =	vadd.s32 v1, v4;
	_ =	sdelay $0x1  }
0x27: {  	v3 =	vperm.xlane v3, v2;
	_ =	sdelay $0x1  }
0x28: {  	v3 =	vadd.s32 v1, v3  }
0x29: {  	[tilespmem:s13], [sflag:$0x1] =	stream.indirect_vreg.gather [hbm4b:s3+s2], $0x80, v4, vm0, $0xb8;
	[tilespmem:$0x6080] =	vst v63  }
0x2a: {  	_ = 	snop  }
0x2b: {  	[tilespmem:s14], [sflag:$0x1] =	stream.indirect_vreg.gather [hbm4b:s5+s2], $0x80, v4, vm0, $0xb8;
	[tilespmem:$0x6080] =	vst v63  }
0x2c: {  	_ = 	snop  }
0x2d: {  	[tilespmem:s15], [sflag:$0x1] =	stream.indirect_vreg.gather [hbm4b:s3+s2], $0x80, v3, vm0, $0xb8;
	[tilespmem:$0x6080] =	vst v63  }
0x2e: {  	_ = 	snop  }
0x2f: {  	[tilespmem:s16], [sflag:$0x1] =	stream.indirect_vreg.gather [hbm4b:s5+s2], $0x80, v3, vm0, $0xb8;
	[tilespmem:$0x6080] =	vst v63  }
0x30: {  	v3 =	vld [tilespmem:$0x20];
	_ =	sdelay $0x4  }
0x31: {  	v63 =	vshll.u32 v3, $0x2  }
0x32: {  	v3 =	vand.u32 $0x7, v3;
	v4 =	vand.u32 $0xFFFFFFE0, v63  }
0x33: {  	v3 =	vor.u32 v3, v4  }
0x34: {  	v4 =	vperm.xlane v3, v0;
	_ =	sdelay $0x1  }
0x35: {  	v4 =	vadd.s32 v1, v4;
	_ =	sdelay $0x1  }
0x36: {  	v3 =	vperm.xlane v3, v2;
	_ =	sdelay $0x1  }
0x37: {  	v3 =	vadd.s32 v1, v3  }
0x38: {  	[tilespmem:s17], [sflag:$0x1] =	stream.indirect_vreg.gather [hbm4b:s3+s2], $0x80, v4, vm0, $0xb8;
	[tilespmem:$0x6080] =	vst v63  }
0x39: {  	_ = 	snop  }
0x3a: {  	[tilespmem:s18], [sflag:$0x1] =	stream.indirect_vreg.gather [hbm4b:s5+s2], $0x80, v4, vm0, $0xb8;
	[tilespmem:$0x6080] =	vst v63  }
0x3b: {  	_ = 	snop  }
0x3c: {  	[tilespmem:s19], [sflag:$0x1] =	stream.indirect_vreg.gather [hbm4b:s3+s2], $0x80, v3, vm0, $0xb8;
	[tilespmem:$0x6080] =	vst v63  }
0x3d: {  	_ = 	snop  }
0x3e: {  	[tilespmem:s20], [sflag:$0x1] =	stream.indirect_vreg.gather [hbm4b:s5+s2], $0x80, v3, vm0, $0xb8;
	[tilespmem:$0x6080] =	vst v63  }
0x3f: {  	_ =	swait.ge [sflag:s21], $0x6000  }
0x40: {  	p0 =	sne.s32 s7, $0x1;
	[sflag:s21] =	ssyncset.done $0x0  }
.Ltmp0:
0x41: {  	[sflag:s21] =	ssyncadd.s32 $0xFFFFA000;
	(pc) =	sbr.rel @p0 .LBB2_1-.Ltmp0, $4  }
0x42: {  	[hbm4b:s6+s2] =	stream.linear.scatter [tilespmem:s9], [sflag:$0x2], $0x6000, $0x38;
	[tilespmem:$0x6080] =	vst v63  }
0x43: {  	_ =	swait.ge [sflag:s8], $0x6000  }
0x44: {  	[sflag:s8] =	ssyncset.done $0x0  }
0x45: {  	s7 =	sadd.s32 $0xFFFFFFFF, s7;
	[sflag:s8] =	ssyncadd.s32 $0xFFFFA000  }
0x46: {  	_ =	sfence.sel $0x180000  }
0x47: {  	[bflag:$0x0] =	sbarrier.arrive $0xFFFF  }
0x48: {  	p0 =	sne.s32 s0, $0x0;
	_ =	strace $0x90000050  }
0x49: {  	s0 =	sadd.s32 @!p0 $0x100000, s1;
	[bflag:$0x2] =	sbarrier.arrive $0xFFFF  }
0x4a: {  	[sflag:s0] =	ssyncadd.tile.s32 @!p0 $0x1;
	_ =	shalt  }
.Lfunc_end2:
_tile_overlayer_lowered:
.L_overlay_start_2:
0x4b: {  	(tag) =	ssettag $0x2  }
0x4c: {  	s0 =	rddreg [dreg:$0x0];
	s2 =	stileid.u32  }
0x4d: {  	s1 =	rddreg [dreg:$0x1];
	p0 =	sne.s32 s2, $0x0  }
0x4e: {  	s3 =	rddreg [dreg:$0x2];
	[bflag:$0x3] =	sbarrier.arrive $0xFFFF;
	s2 =	simm.s32 @!p0 $0x1C02  }
0x4f: {  	[timem:s3], [sflag:s2] =	dma.local @!p0 [hbm:s0], s1  }
0x50: {  	s0 =	simm.s32 @!p0 $0x2  }
0x51: {  	_ =	swait.ge @!p0 [sflag:s0], s1  }
0x52: {  	s1 =	ssub.s32 @!p0 $0x0, s1;
	[sflag:s0] =	ssyncset.done @!p0 $0x0  }
0x53: {  	[sflag:s0] =	ssyncadd.s32 @!p0 s1  }
0x54: {  	[bflag:$0x3] =	sbarrier.arrive $0xFFFF  }
0x55: {  	_ =	shalt  }

// kernel: kernel.16.cloned.1.call-start
scs
__scs_entry_jumppad:
0x0: {  	(pc) =	sbr.rel $0x88, $3  }
0x1: {  	(tag) =	ssettag $0x0;
	lr =	simm.s32 $0x1  }
0x2: {  	[smem:$0x3F9A] =	sst lr;
	_ =	strace $0xD0000000  }
0x3: {  	_ = 	snop  }
0x4: {  	_ = 	snop  }
0x5: {  	_ = 	snop  }
0x6: {  	_ = 	snop  }
0x7: {  	_ = 	snop  }
__scs_overlays_trampoline_lowered:
0x8: {  	[smem:$0x3FA9] =	sst s0  }
0x9: {  	[smem:$0x3FAA] =	sst s1  }
0xa: {  	[smem:$0x3FAB] =	sst s2  }
0xb: {  	[smem:$0x3FAC] =	sst s3  }
0xc: {  	[smem:$0x3FAD] =	sst s4  }
0xd: {  	[smem:$0x3FAE] =	sst s5  }
0xe: {  	[smem:$0x3FAF] =	sst s6  }
0xf: {  	[smem:$0x3FB0] =	sst s7  }
0x10: {  	[smem:$0x3FB1] =	sst s8  }
0x11: {  	[smem:$0x3FB2] =	sst s9;
	s0 =	simm.s32 @!p0 $0x0  }
0x12: {  	s1 =	sld [smem:$0x3F98];
	s0 =	simm.s32 @p0 $0x1  }
0x13: {  	[smem:$0x3FB3] =	sst s0;
	s0 =	simm.s32 @!p1 $0x0  }
0x14: {  	s2 =	sld [smem:$0x3F97];
	s0 =	simm.s32 @p1 $0x1  }
0x15: {  	[smem:$0x3FB4] =	sst s0;
	s0 =	simm.s32 @!p2 $0x0  }
0x16: {  	s3 =	sld [smem:$0x3FDB];
	s0 =	simm.s32 @p2 $0x1  }
0x17: {  	s4 =	simm.s32 $0x1BF5;
	[smem:$0x3FB6] =	sst s0  }
0x18: {  	s0 =	sld [smem:$0x3F99];
	_ =	swait.ge [sflag:s4], $0x0  }
0x19: {  	s7 =	sld [smem:$0x3F9A]  }
0x1a: {  	s8 =	sadd.s32 $0xFFFFE003, lr  }
0x1b: {  	s9 =	sadd.s32 $0xFFFFFEF7, lr;
	s5 =	simm.s32 $0xFFFFFFFF;
	p2 =	slt.u32 s8, $0xFFFFF086  }
0x1c: {  	p1 =	slt.u32 s9, $0xF7A;
	s5 =	simm.s32 @!p2 $0x0  }
0x1d: {  	s5 =	simm.s32 @p1 $0x1;
	p0 =	seq.s32 s7, s2  }
0x1e: {  	s7 =	smul.u32 @!p0 $0xF7A, s2;
	p2 =	seq.s32 @!p0 s5, $0x0  }
0x1f: {  	s9 =	smul.u32 $0xF7A, s1;
	s8 =	simm.s32 @!p0 $0x1BF5;
	p2 =	por !p2, p0  }
0x20: {  	[sflag:s8] =	ssyncset.s32 @!p0 $0xFFFFF086;
	s6 =	sadd.s32 @!p0 s3, s7;
	s7 =	simm.s32 @!p0 $0x108  }
0x21: {  	s3 =	sadd.s32 s3, s9;
	s6 =	sadd.s32 @!p0 $0x88, s6;
	s7 =	simm.s32 @p2 $0x1082  }
0x22: {  	[simem:s7], [sflag:s8] =	dma.local @!p0 [hbm:s6], $0xF7A  }
0x23: {  	s9 =	sor.u32 $0xD0000000, s2;
	s6 =	simm.s32 $0x108;
	_ =	swait.ge @!p0 [sflag:s8], $0x0  }
0x24: {  	s3 =	sadd.s32 $0x88, s3;
	s6 =	simm.s32 @!p1 $0x1082;
	[sflag:s4] =	ssyncset.s32 $0xFFFFF086  }
0x25: {  	[simem:s6], [sflag:s4] =	dma.local [hbm:s3], $0xF7A  }
0x26: {  	[smem:$0x3F9A] =	sst s1;
	(tag) =	ssettag s2;
	_ =	strace s9  }
0x27: {  	s1 =	sld [smem:$0x3FAA]  }
0x28: {  	s2 =	sld [smem:$0x3FAB]  }
0x29: {  	s4 =	sld [smem:$0x3FAD]  }
0x2a: {  	p0 =	seq.s32 s5, $0x0;
	s5 =	sld [smem:$0x3FAE]  }
0x2b: {  	s6 =	sld [smem:$0x3FAF]  }
0x2c: {  	s7 =	sld [smem:$0x3FB0]  }
0x2d: {  	s3 =	simm.s32 $0x108;
	s8 =	sld [smem:$0x3FB1]  }
0x2e: {  	s3 =	simm.s32 @!p0 $0x1082;
	s9 =	sld [smem:$0x3FB2]  }
0x2f: {  	lr =	sadd.s32 s0, s3;
	s0 =	sld [smem:$0x3FA9]  }
0x30: {  	s3 =	sld [smem:$0x3FAC]  }
0x31: {  	[smem:$0x3FB5] =	sst s10  }
0x32: {  	s10 =	sld [smem:$0x3FB3];
	_ =	sdelay $0x3  }
0x33: {  	p0 =	seq.s32 s10, $0x1;
	s10 =	sld [smem:$0x3FB5];
	_ =	sdelay $0x3  }
0x34: {  	[smem:$0x3FB5] =	sst s10  }
0x35: {  	s10 =	sld [smem:$0x3FB4];
	_ =	sdelay $0x3  }
0x36: {  	p1 =	seq.s32 s10, $0x1;
	s10 =	sld [smem:$0x3FB5];
	_ =	sdelay $0x3  }
0x37: {  	[smem:$0x3FB5] =	sst s10  }
0x38: {  	s10 =	sld [smem:$0x3FB6]  }
0x39: {  	_ = 	snop;
	(pc) =	sbr.ind lr, $3  }
0x3a: {  	_ = 	snop  }
0x3b: {  	_ = 	snop  }
0x3c: {  	p2 =	seq.s32 s10, $0x1;
	s10 =	sld [smem:$0x3FB5]  }
0x3d: {  	_ =	shalt  }
0x3e: {  	_ =	shalt  }
0x3f: {  	_ =	shalt  }
0x40: {  	_ =	shalt  }
0x41: {  	_ =	shalt  }
0x42: {  	_ =	shalt  }
0x43: {  	_ =	shalt  }
0x44: {  	_ =	shalt  }
0x45: {  	_ =	shalt  }
0x46: {  	_ =	shalt  }
0x47: {  	_ =	shalt  }
0x48: {  	_ =	shalt  }
0x49: {  	_ =	shalt  }
0x4a: {  	_ =	shalt  }
0x4b: {  	_ =	shalt  }
0x4c: {  	_ =	shalt  }
0x4d: {  	_ =	shalt  }
0x4e: {  	_ =	shalt  }
0x4f: {  	_ =	shalt  }
0x50: {  	_ =	shalt  }
0x51: {  	_ =	shalt  }
0x52: {  	_ =	shalt  }
0x53: {  	_ =	shalt  }
0x54: {  	_ =	shalt  }
0x55: {  	_ =	shalt  }
0x56: {  	_ =	shalt  }
0x57: {  	_ =	shalt  }
0x58: {  	_ =	shalt  }
0x59: {  	_ =	shalt  }
0x5a: {  	_ =	shalt  }
0x5b: {  	_ =	shalt  }
0x5c: {  	_ =	shalt  }
0x5d: {  	_ =	shalt  }
0x5e: {  	_ =	shalt  }
0x5f: {  	_ =	shalt  }
0x60: {  	_ =	shalt  }
0x61: {  	_ =	shalt  }
0x62: {  	_ =	shalt  }
0x63: {  	_ =	shalt  }
0x64: {  	_ =	shalt  }
0x65: {  	_ =	shalt  }
0x66: {  	_ =	shalt  }
0x67: {  	_ =	shalt  }
0x68: {  	_ =	shalt  }
0x69: {  	_ =	shalt  }
0x6a: {  	_ =	shalt  }
0x6b: {  	_ =	shalt  }
0x6c: {  	_ =	shalt  }
0x6d: {  	_ =	shalt  }
0x6e: {  	_ =	shalt  }
0x6f: {  	_ =	shalt  }
0x70: {  	_ =	shalt  }
0x71: {  	_ =	shalt  }
0x72: {  	_ =	shalt  }
0x73: {  	_ =	shalt  }
0x74: {  	_ =	shalt  }
0x75: {  	_ =	shalt  }
0x76: {  	_ =	shalt  }
0x77: {  	_ =	shalt  }
0x78: {  	_ =	shalt  }
0x79: {  	_ =	shalt  }
0x7a: {  	_ =	shalt  }
0x7b: {  	_ =	shalt  }
0x7c: {  	_ =	shalt  }
0x7d: {  	_ =	shalt  }
0x7e: {  	_ =	shalt  }
0x7f: {  	_ =	shalt  }
0x80: {  	_ =	shalt  }
0x81: {  	_ =	shalt  }
0x82: {  	_ =	shalt  }
0x83: {  	_ =	shalt  }
0x84: {  	_ =	shalt  }
0x85: {  	_ =	shalt  }
0x86: {  	_ =	shalt  }
0x87: {  	_ =	shalt  }
.Lfunc_end0:
.L_simem_size_0:
called_computation.2_lowered:
.L_overlay_start_0:
0x88: {  	s2 =	sld [smem:$0x3FD9]  }
0x89: {  	s3 =	sld [smem:$0x3FFE];
	_ =	sdelay $0x1  }
0x8a: {  	s1 =	srdreg.scid  }
0x8b: {  	s0 =	sand.u32 $0x1, s1  }
0x8c: {  	s17 =	sshll.u32 s0, $0xA;
	s2 =	sadd.s32 s3, s2  }
0x8d: {  	s2 =	sadd.s32 s2, s17  }
0x8e: {  	[smem:$0x3FC1] =	sst s2  }
0x8f: {  	_ = 	snop  }
0x90: {  	(tm) =	ssettm $0x1  }
0x91: {  	s18 =	sld [smem:$0x3FFB];
	_ =	sdelay $0x3  }
0x92: {  	_ =	strace s18  }
0x93: {  	s2 =	sld [smem:$0x3FFC];
	_ =	sdelay $0x3  }
0x94: {  	_ =	strace s2  }
0x95: {  	s2 =	sld [smem:$0x3FFD];
	_ =	sdelay $0x3  }
0x96: {  	_ =	strace s2  }
0x97: {  	_ =	strace $0x8FFFFFFF  }
0x98: {  	s19 =	sld [smem:$0x3FDB];
	_ =	sdelay $0x1  }
0x99: {  	s20 =	simm.s32 $_scs_section_size  }
0x9a: {  	s4 =	simm.s32 $_size__tile_overlayer_lowered;
	s5 =	simm.s32 $_tile_overlayer_lowered  }
0x9b: {  	s6 =	simm.s32 $0x1BFF;
	s21 =	sshll.u32 s5, $0x1;
	s3 =	sadd.s32 s20, s19  }
0x9c: {  	s22 =	simm.s32 $0x0;
	s4 =	sshll.u32 s4, $0x1;
	s5 =	sadd.s32 s21, s3  }
0x9d: {  	[timem:s22], [sflag:s6] =	dma.local [hbm:s5], s4  }
0x9e: {  	_ =	swait.ge [sflag:s6], s4  }
0x9f: {  	s4 =	ssub.s32 $0x0, s4;
	[sflag:s6] =	ssyncset.done $0x0  }
0xa0: {  	[sflag:s6] =	ssyncadd.s32 s4;
	_ =	sdelay $0x1  }
0xa1: {  	s23 =	simm.s32 $0x1B8B  }
0xa2: {  	_ =	swait.ge [sflag:s23], $0x1  }
0xa3: {  	[sflag:s23] =	ssyncset.done $0x0  }
0xa4: {  	[sflag:s23] =	ssyncadd.s32 $0xFFFFFFFF  }
0xa5: {  	s4 =	sld [smem:$0x0]  }
0xa6: {  	s5 =	sand.u32 $0xFFFFFFFE, s1  }
0xa7: {  	p0 =	sne.s32 s1, s5  }
0xa8: {  	s5 =	sshll.u32 @p0 s5, $0xE  }
0xa9: {  	s5 =	sadd.s32 @p0 $0x11B8D, s5;
	s6 =	sshll.u32 @p0 s4, $0x11  }
0xaa: {  	s5 =	sor.u32 @p0 s6, s5  }
0xab: {  	[sflag:s5] =	ssyncadd.remote.s32 @p0 $0x1;
	_ =	sdelay $0x1  }
0xac: {  	s5 =	simm.s32 @p0 $0x1B8D  }
0xad: {  	_ =	swait.eq @p0 [sflag:s5], $0x1  }
0xae: {  	[sflag:s5] =	ssyncadd.s32 @p0 $0xFFFFFFFF  }
0xaf: {  	s6 =	sshll.u32 @!p0 s1, $0xE  }
0xb0: {  	s6 =	sor.u32 @!p0 $0x4000, s6;
	s5 =	simm.s32 @!p0 $0x1B8D  }
0xb1: {  	s4 =	sshll.u32 @!p0 s4, $0x11;
	s6 =	sadd.s32 @!p0 $0x11B8D, s6;
	_ =	swait.eq @!p0 [sflag:s5], $0x1  }
0xb2: {  	s4 =	sor.u32 @!p0 s4, s6;
	[sflag:s5] =	ssyncadd.s32 @!p0 $0xFFFFFFFF  }
0xb3: {  	s25 =	simm.s32 $0x1B8E;
	s24 =	sld [smem:$0x3FFE];
	[sflag:s4] =	ssyncadd.remote.s32 @!p0 $0x1  }
0xb4: {  	s26 =	simm.s32 $execute0_lowered;
	[smem:$0x3FD2] =	sst s25  }
0xb5: {  	s5 =	sshll.u32 s26, $0x1;
	_ =	strace $0x8000004C;
	[dreg:$0x1] =	wrdreg $0xFFFFFFFF  }
0xb6: {  	s28 =	simm.s32 $_size_execute0_lowered;
	s3 =	sadd.s32 s3, s5;
	[dreg:$0x0] =	wrdreg $0x0  }
0xb7: {  	s5 =	sshll.u32 s28, $0x1;
	[dreg:$0x2] =	wrdreg s3  }
0xb8: {  	[dreg:$0x3] =	wrdreg s5  }
0xb9: {  	[dreg:$0x4] =	wrdreg $0xC0  }
0xba: {  	_ =	task [dreg:s22], $0x5FFFF  }
0xbb: {  	[dreg:$0x1] =	wrdreg $0xFFFFFFFF  }
0xbc: {  	[dreg:$0x0] =	wrdreg $0x60  }
0xbd: {  	[dreg:$0x2] =	wrdreg s24  }
0xbe: {  	[dreg:$0x3] =	wrdreg $0xA  }
0xbf: {  	_ =	task.clear_ibuf [dreg:s22], $0x4FFFF;
	_ =	strace $0x9000004C  }
0xc0: {  	s29 =	simm.s32 $0xA;
	_ =	strace $0x8000004E  }
0xc1: {  	_ =	swait.ge [sflag:s29], $0x1  }
0xc2: {  	[sflag:s29] =	ssyncadd.s32 $0xFFFFFFFF  }
0xc3: {  	_ =	strace $0x9000004E  }
0xc4: {  	_ =	sfence  }
0xc5: {  	s30 =	sld [smem:$0x0];
	_ =	sdelay $0x2  }
0xc6: {  	s31 =	sshll.u32 s1, $0xD;
	s1 =	sshrl.u32 s1, $0x2  }
0xc7: {  	s4 =	sand.u32 $0x4000, s31;
	s1 =	sadd.s32 s1, s30  }
0xc8: {  	s0 =	sor.u32 s4, s0;
	s1 =	sshll.u32 s1, $0x11  }
0xc9: {  	s0 =	sor.u32 s1, s0  }
0xca: {  	s0 =	sadd.s32 $0x8F2B, s0  }
0xcb: {  	[sflag:s0] =	ssyncadd.remote.s32 $0x1  }
0xcc: {  	_ =	sfence.sel $0xFFFF  }
0xcd: {  	[dreg:$0x0] =	wrdreg $0xFFFFFFFF;
	(pc) =	sbr.abs _section_cstart, $3  }
0xce: {  	[dreg:$0x1] =	wrdreg $0xFFFFFFFF  }
0xcf: {  	_ =	task.clear_ibuf [dreg:s22], $0x2FFFF;
	_ =	strace $0x9FFFFFFF  }
0xd0: {  	(tm) =	ssettm $0x7FFFFFFF  }
0xd1: {  	_ =	shalt  }
tec
execute0_lowered:
.L_overlay_start_1:
0x0: {  	(tag) =	ssettag $0x1  }
0x1: {  	s1 =	srdreg.scid  }
0x2: {  	s0 =	stileid.u32;
	s5 =	rddreg [dreg:$0x0];
	s2 =	simm.s32 $0x0  }
0x3: {  	s10 =	simm.s32 $0x880;
	s11 =	simm.s32 $0x1080;
	s12 =	simm.s32 $0x1880  }
0x4: {  	s13 =	simm.s32 $0x2080;
	s14 =	simm.s32 $0x2880;
	s15 =	simm.s32 $0x3080  }
0x5: {  	s16 =	simm.s32 $0x3880;
	s17 =	simm.s32 $0x4080;
	s18 =	simm.s32 $0x4880  }
0x6: {  	s19 =	simm.s32 $0x5080;
	s3 =	sand.u32 $0x1, s1;
	s4 =	sshll.u32 s0, $0x1  }
0x7: {  	s20 =	simm.s32 $0x5880;
	s21 =	simm.s32 $0x1;
	s4 =	sor.u32 s3, s4  }
0x8: {  	s1 =	rddreg [dreg:$0x1];
	s7 =	ssub.s32 $0x2, s3;
	s6 =	smul.u32 $0x30, s4  }
0x9: {  	[smem:$0x7FF] =	sst s2;
	s4 =	smul.u32 $0xC00, s4;
	s8 =	sshrl.u32 s7, $0x1  }
0xa: {  	_ =	strace $0x8000004D;
	s3 =	sadd.s32 $0x4000, s5;
	s7 =	ssub.s32 s7, s8  }
0xb: {  	v2 =	vlaneseq.u32;
	s8 =	simm.s32 $0x2;
	s6 =	sshrl.u32 s6, $0x3;
	s9 =	sadd.s32 s4, s5  }
0xc: {  	vm0 =	vmmov $0xffff;
	v1 =	vshrl.u32 v2, $0x3;
	s7 =	smax.u32 s7, $0x1;
	s31 =	sadd.s32 s5, s6;
	s5 =	sadd.s32 $0x4100, s5  }
0xd: {  	v0 =	vand.u32 $0x7, v2;
	v2 =	vor.u32 $0x8, v2;
	v1 =	vmul.u32 $0x8, v1;
	s6 =	sadd.s32 $0x5C000, s9;
	s9 =	simm.s32 $0x80;
	s4 =	sadd.s32 $0x3CC0, s31  }
.LBB2_1:
0xe: {  	[tilespmem:s2], [sflag:$0x2] =	stream.linear.gather [hbm4b:s4+s2], $0x30, $0x38;
	[tilespmem:$0x6080] =	vst v63  }
0xf: {  	_ =	swait.ge [sflag:s8], $0x30  }
0x10: {  	[sflag:s8] =	ssyncset.done $0x0  }
0x11: {  	[sflag:s8] =	ssyncadd.s32 $0xFFFFFFD0  }
0x12: {  	v3 =	vld [tilespmem:$0x0];
	_ =	sdelay $0x4  }
0x13: {  	v4 =	vshll.u32 v3, $0x2  }
0x14: {  	v3 =	vand.u32 $0x7, v3;
	v4 =	vand.u32 $0xFFFFFFE0, v4  }
0x15: {  	v3 =	vor.u32 v3, v4  }
0x16: {  	v4 =	vperm.xlane v3, v0;
	_ =	sdelay $0x1  }
0x17: {  	v4 =	vadd.s32 v1, v4;
	_ =	sdelay $0x1  }
0x18: {  	v3 =	vperm.xlane v3, v2;
	_ =	sdelay $0x1  }
0x19: {  	v3 =	vadd.s32 v1, v3  }
0x1a: {  	[tilespmem:s9], [sflag:$0x1] =	stream.indirect_vreg.gather [hbm4b:s3+s2], $0x80, v4, vm0, $0xb8;
	[tilespmem:$0x6080] =	vst v63  }
0x1b: {  	_ = 	snop  }
0x1c: {  	[tilespmem:s10], [sflag:$0x1] =	stream.indirect_vreg.gather [hbm4b:s5+s2], $0x80, v4, vm0, $0xb8;
	[tilespmem:$0x6080] =	vst v63  }
0x1d: {  	_ = 	snop  }
0x1e: {  	[tilespmem:s11], [sflag:$0x1] =	stream.indirect_vreg.gather [hbm4b:s3+s2], $0x80, v3, vm0, $0xb8;
	[tilespmem:$0x6080] =	vst v63  }
0x1f: {  	_ = 	snop  }
0x20: {  	[tilespmem:s12], [sflag:$0x1] =	stream.indirect_vreg.gather [hbm4b:s5+s2], $0x80, v3, vm0, $0xb8;
	[tilespmem:$0x6080] =	vst v63  }
0x21: {  	v3 =	vld [tilespmem:$0x10];
	_ =	sdelay $0x4  }
0x22: {  	v62 =	vshll.u32 v3, $0x2  }
0x23: {  	v3 =	vand.u32 $0x7, v3;
	v4 =	vand.u32 $0xFFFFFFE0, v62  }
0x24: {  	v3 =	vor.u32 v3, v4  }
0x25: {  	v4 =	vperm.xlane v3, v0;
	_ =	sdelay $0x1  }
0x26: {  	v4 =	vadd.s32 v1, v4;
	_ =	sdelay $0x1  }
0x27: {  	v3 =	vperm.xlane v3, v2;
	_ =	sdelay $0x1  }
0x28: {  	v3 =	vadd.s32 v1, v3  }
0x29: {  	[tilespmem:s13], [sflag:$0x1] =	stream.indirect_vreg.gather [hbm4b:s3+s2], $0x80, v4, vm0, $0xb8;
	[tilespmem:$0x6080] =	vst v63  }
0x2a: {  	_ = 	snop  }
0x2b: {  	[tilespmem:s14], [sflag:$0x1] =	stream.indirect_vreg.gather [hbm4b:s5+s2], $0x80, v4, vm0, $0xb8;
	[tilespmem:$0x6080] =	vst v63  }
0x2c: {  	_ = 	snop  }
0x2d: {  	[tilespmem:s15], [sflag:$0x1] =	stream.indirect_vreg.gather [hbm4b:s3+s2], $0x80, v3, vm0, $0xb8;
	[tilespmem:$0x6080] =	vst v63  }
0x2e: {  	_ = 	snop  }
0x2f: {  	[tilespmem:s16], [sflag:$0x1] =	stream.indirect_vreg.gather [hbm4b:s5+s2], $0x80, v3, vm0, $0xb8;
	[tilespmem:$0x6080] =	vst v63  }
0x30: {  	v3 =	vld [tilespmem:$0x20];
	_ =	sdelay $0x4  }
0x31: {  	v63 =	vshll.u32 v3, $0x2  }
0x32: {  	v3 =	vand.u32 $0x7, v3;
	v4 =	vand.u32 $0xFFFFFFE0, v63  }
0x33: {  	v3 =	vor.u32 v3, v4  }
0x34: {  	v4 =	vperm.xlane v3, v0;
	_ =	sdelay $0x1  }
0x35: {  	v4 =	vadd.s32 v1, v4;
	_ =	sdelay $0x1  }
0x36: {  	v3 =	vperm.xlane v3, v2;
	_ =	sdelay $0x1  }
0x37: {  	v3 =	vadd.s32 v1, v3  }
0x38: {  	[tilespmem:s17], [sflag:$0x1] =	stream.indirect_vreg.gather [hbm4b:s3+s2], $0x80, v4, vm0, $0xb8;
	[tilespmem:$0x6080] =	vst v63  }
0x39: {  	_ = 	snop  }
0x3a: {  	[tilespmem:s18], [sflag:$0x1] =	stream.indirect_vreg.gather [hbm4b:s5+s2], $0x80, v4, vm0, $0xb8;
	[tilespmem:$0x6080] =	vst v63  }
0x3b: {  	_ = 	snop  }
0x3c: {  	[tilespmem:s19], [sflag:$0x1] =	stream.indirect_vreg.gather [hbm4b:s3+s2], $0x80, v3, vm0, $0xb8;
	[tilespmem:$0x6080] =	vst v63  }
0x3d: {  	_ = 	snop  }
0x3e: {  	[tilespmem:s20], [sflag:$0x1] =	stream.indirect_vreg.gather [hbm4b:s5+s2], $0x80, v3, vm0, $0xb8;
	[tilespmem:$0x6080] =	vst v63  }
0x3f: {  	_ =	swait.ge [sflag:s21], $0x6000  }
0x40: {  	p0 =	sne.s32 s7, $0x1;
	[sflag:s21] =	ssyncset.done $0x0  }
.Ltmp0:
0x41: {  	[sflag:s21] =	ssyncadd.s32 $0xFFFFA000;
	(pc) =	sbr.rel @p0 .LBB2_1-.Ltmp0, $4  }
0x42: {  	[hbm4b:s6+s2] =	stream.linear.scatter [tilespmem:s9], [sflag:$0x2], $0x6000, $0x38;
	[tilespmem:$0x6080] =	vst v63  }
0x43: {  	_ =	swait.ge [sflag:s8], $0x6000  }
0x44: {  	[sflag:s8] =	ssyncset.done $0x0  }
0x45: {  	s7 =	sadd.s32 $0xFFFFFFFF, s7;
	[sflag:s8] =	ssyncadd.s32 $0xFFFFA000  }
0x46: {  	_ =	sfence.sel $0x180000  }
0x47: {  	[bflag:$0x0] =	sbarrier.arrive $0xFFFF  }
0x48: {  	p0 =	sne.s32 s0, $0x0;
	_ =	strace $0x9000004D  }
0x49: {  	s0 =	sadd.s32 @!p0 $0x100000, s1;
	[bflag:$0x2] =	sbarrier.arrive $0xFFFF  }
0x4a: {  	[sflag:s0] =	ssyncadd.tile.s32 @!p0 $0x1;
	_ =	shalt  }
.Lfunc_end2:
_tile_overlayer_lowered:
.L_overlay_start_2:
0x4b: {  	(tag) =	ssettag $0x2  }
0x4c: {  	s0 =	rddreg [dreg:$0x0];
	s2 =	stileid.u32  }
0x4d: {  	s1 =	rddreg [dreg:$0x1];
	p0 =	sne.s32 s2, $0x0  }
0x4e: {  	s3 =	rddreg [dreg:$0x2];
	[bflag:$0x3] =	sbarrier.arrive $0xFFFF;
	s2 =	simm.s32 @!p0 $0x1C02  }
0x4f: {  	[timem:s3], [sflag:s2] =	dma.local @!p0 [hbm:s0], s1  }
0x50: {  	s0 =	simm.s32 @!p0 $0x2  }
0x51: {  	_ =	swait.ge @!p0 [sflag:s0], s1  }
0x52: {  	s1 =	ssub.s32 @!p0 $0x0, s1;
	[sflag:s0] =	ssyncset.done @!p0 $0x0  }
0x53: {  	[sflag:s0] =	ssyncadd.s32 @!p0 s1  }
0x54: {  	[bflag:$0x3] =	sbarrier.arrive $0xFFFF  }
0x55: {  	_ =	shalt  }

// kernel: kernel.19.cloned.1.call-start
scs
__scs_entry_jumppad:
0x0: {  	(pc) =	sbr.rel $0x88, $3  }
0x1: {  	(tag) =	ssettag $0x0;
	lr =	simm.s32 $0x1  }
0x2: {  	[smem:$0x3F9A] =	sst lr;
	_ =	strace $0xD0000000  }
0x3: {  	_ = 	snop  }
0x4: {  	_ = 	snop  }
0x5: {  	_ = 	snop  }
0x6: {  	_ = 	snop  }
0x7: {  	_ = 	snop  }
__scs_overlays_trampoline_lowered:
0x8: {  	[smem:$0x3FA9] =	sst s0  }
0x9: {  	[smem:$0x3FAA] =	sst s1  }
0xa: {  	[smem:$0x3FAB] =	sst s2  }
0xb: {  	[smem:$0x3FAC] =	sst s3  }
0xc: {  	[smem:$0x3FAD] =	sst s4  }
0xd: {  	[smem:$0x3FAE] =	sst s5  }
0xe: {  	[smem:$0x3FAF] =	sst s6  }
0xf: {  	[smem:$0x3FB0] =	sst s7  }
0x10: {  	[smem:$0x3FB1] =	sst s8  }
0x11: {  	[smem:$0x3FB2] =	sst s9;
	s0 =	simm.s32 @!p0 $0x0  }
0x12: {  	s1 =	sld [smem:$0x3F98];
	s0 =	simm.s32 @p0 $0x1  }
0x13: {  	[smem:$0x3FB3] =	sst s0;
	s0 =	simm.s32 @!p1 $0x0  }
0x14: {  	s2 =	sld [smem:$0x3F97];
	s0 =	simm.s32 @p1 $0x1  }
0x15: {  	[smem:$0x3FB4] =	sst s0;
	s0 =	simm.s32 @!p2 $0x0  }
0x16: {  	s3 =	sld [smem:$0x3FDB];
	s0 =	simm.s32 @p2 $0x1  }
0x17: {  	s4 =	simm.s32 $0x1BF5;
	[smem:$0x3FB6] =	sst s0  }
0x18: {  	s0 =	sld [smem:$0x3F99];
	_ =	swait.ge [sflag:s4], $0x0  }
0x19: {  	s7 =	sld [smem:$0x3F9A]  }
0x1a: {  	s8 =	sadd.s32 $0xFFFFE003, lr  }
0x1b: {  	s9 =	sadd.s32 $0xFFFFFEF7, lr;
	s5 =	simm.s32 $0xFFFFFFFF;
	p2 =	slt.u32 s8, $0xFFFFF086  }
0x1c: {  	p1 =	slt.u32 s9, $0xF7A;
	s5 =	simm.s32 @!p2 $0x0  }
0x1d: {  	s5 =	simm.s32 @p1 $0x1;
	p0 =	seq.s32 s7, s2  }
0x1e: {  	s7 =	smul.u32 @!p0 $0xF7A, s2;
	p2 =	seq.s32 @!p0 s5, $0x0  }
0x1f: {  	s9 =	smul.u32 $0xF7A, s1;
	s8 =	simm.s32 @!p0 $0x1BF5;
	p2 =	por !p2, p0  }
0x20: {  	[sflag:s8] =	ssyncset.s32 @!p0 $0xFFFFF086;
	s6 =	sadd.s32 @!p0 s3, s7;
	s7 =	simm.s32 @!p0 $0x108  }
0x21: {  	s3 =	sadd.s32 s3, s9;
	s6 =	sadd.s32 @!p0 $0x88, s6;
	s7 =	simm.s32 @p2 $0x1082  }
0x22: {  	[simem:s7], [sflag:s8] =	dma.local @!p0 [hbm:s6], $0xF7A  }
0x23: {  	s9 =	sor.u32 $0xD0000000, s2;
	s6 =	simm.s32 $0x108;
	_ =	swait.ge @!p0 [sflag:s8], $0x0  }
0x24: {  	s3 =	sadd.s32 $0x88, s3;
	s6 =	simm.s32 @!p1 $0x1082;
	[sflag:s4] =	ssyncset.s32 $0xFFFFF086  }
0x25: {  	[simem:s6], [sflag:s4] =	dma.local [hbm:s3], $0xF7A  }
0x26: {  	[smem:$0x3F9A] =	sst s1;
	(tag) =	ssettag s2;
	_ =	strace s9  }
0x27: {  	s1 =	sld [smem:$0x3FAA]  }
0x28: {  	s2 =	sld [smem:$0x3FAB]  }
0x29: {  	s4 =	sld [smem:$0x3FAD]  }
0x2a: {  	p0 =	seq.s32 s5, $0x0;
	s5 =	sld [smem:$0x3FAE]  }
0x2b: {  	s6 =	sld [smem:$0x3FAF]  }
0x2c: {  	s7 =	sld [smem:$0x3FB0]  }
0x2d: {  	s3 =	simm.s32 $0x108;
	s8 =	sld [smem:$0x3FB1]  }
0x2e: {  	s3 =	simm.s32 @!p0 $0x1082;
	s9 =	sld [smem:$0x3FB2]  }
0x2f: {  	lr =	sadd.s32 s0, s3;
	s0 =	sld [smem:$0x3FA9]  }
0x30: {  	s3 =	sld [smem:$0x3FAC]  }
0x31: {  	[smem:$0x3FB5] =	sst s10  }
0x32: {  	s10 =	sld [smem:$0x3FB3];
	_ =	sdelay $0x3  }
0x33: {  	p0 =	seq.s32 s10, $0x1;
	s10 =	sld [smem:$0x3FB5];
	_ =	sdelay $0x3  }
0x34: {  	[smem:$0x3FB5] =	sst s10  }
0x35: {  	s10 =	sld [smem:$0x3FB4];
	_ =	sdelay $0x3  }
0x36: {  	p1 =	seq.s32 s10, $0x1;
	s10 =	sld [smem:$0x3FB5];
	_ =	sdelay $0x3  }
0x37: {  	[smem:$0x3FB5] =	sst s10  }
0x38: {  	s10 =	sld [smem:$0x3FB6]  }
0x39: {  	_ = 	snop;
	(pc) =	sbr.ind lr, $3  }
0x3a: {  	_ = 	snop  }
0x3b: {  	_ = 	snop  }
0x3c: {  	p2 =	seq.s32 s10, $0x1;
	s10 =	sld [smem:$0x3FB5]  }
0x3d: {  	_ =	shalt  }
0x3e: {  	_ =	shalt  }
0x3f: {  	_ =	shalt  }
0x40: {  	_ =	shalt  }
0x41: {  	_ =	shalt  }
0x42: {  	_ =	shalt  }
0x43: {  	_ =	shalt  }
0x44: {  	_ =	shalt  }
0x45: {  	_ =	shalt  }
0x46: {  	_ =	shalt  }
0x47: {  	_ =	shalt  }
0x48: {  	_ =	shalt  }
0x49: {  	_ =	shalt  }
0x4a: {  	_ =	shalt  }
0x4b: {  	_ =	shalt  }
0x4c: {  	_ =	shalt  }
0x4d: {  	_ =	shalt  }
0x4e: {  	_ =	shalt  }
0x4f: {  	_ =	shalt  }
0x50: {  	_ =	shalt  }
0x51: {  	_ =	shalt  }
0x52: {  	_ =	shalt  }
0x53: {  	_ =	shalt  }
0x54: {  	_ =	shalt  }
0x55: {  	_ =	shalt  }
0x56: {  	_ =	shalt  }
0x57: {  	_ =	shalt  }
0x58: {  	_ =	shalt  }
0x59: {  	_ =	shalt  }
0x5a: {  	_ =	shalt  }
0x5b: {  	_ =	shalt  }
0x5c: {  	_ =	shalt  }
0x5d: {  	_ =	shalt  }
0x5e: {  	_ =	shalt  }
0x5f: {  	_ =	shalt  }
0x60: {  	_ =	shalt  }
0x61: {  	_ =	shalt  }
0x62: {  	_ =	shalt  }
0x63: {  	_ =	shalt  }
0x64: {  	_ =	shalt  }
0x65: {  	_ =	shalt  }
0x66: {  	_ =	shalt  }
0x67: {  	_ =	shalt  }
0x68: {  	_ =	shalt  }
0x69: {  	_ =	shalt  }
0x6a: {  	_ =	shalt  }
0x6b: {  	_ =	shalt  }
0x6c: {  	_ =	shalt  }
0x6d: {  	_ =	shalt  }
0x6e: {  	_ =	shalt  }
0x6f: {  	_ =	shalt  }
0x70: {  	_ =	shalt  }
0x71: {  	_ =	shalt  }
0x72: {  	_ =	shalt  }
0x73: {  	_ =	shalt  }
0x74: {  	_ =	shalt  }
0x75: {  	_ =	shalt  }
0x76: {  	_ =	shalt  }
0x77: {  	_ =	shalt  }
0x78: {  	_ =	shalt  }
0x79: {  	_ =	shalt  }
0x7a: {  	_ =	shalt  }
0x7b: {  	_ =	shalt  }
0x7c: {  	_ =	shalt  }
0x7d: {  	_ =	shalt  }
0x7e: {  	_ =	shalt  }
0x7f: {  	_ =	shalt  }
0x80: {  	_ =	shalt  }
0x81: {  	_ =	shalt  }
0x82: {  	_ =	shalt  }
0x83: {  	_ =	shalt  }
0x84: {  	_ =	shalt  }
0x85: {  	_ =	shalt  }
0x86: {  	_ =	shalt  }
0x87: {  	_ =	shalt  }
.Lfunc_end0:
.L_simem_size_0:
called_computation.3_lowered:
.L_overlay_start_0:
0x88: {  	s2 =	sld [smem:$0x3FD9]  }
0x89: {  	s3 =	sld [smem:$0x3FFE];
	_ =	sdelay $0x1  }
0x8a: {  	s1 =	srdreg.scid  }
0x8b: {  	s0 =	sand.u32 $0x1, s1  }
0x8c: {  	s16 =	sshll.u32 s0, $0xA;
	s2 =	sadd.s32 s3, s2  }
0x8d: {  	s2 =	sadd.s32 s2, s16  }
0x8e: {  	[smem:$0x3FC1] =	sst s2  }
0x8f: {  	_ = 	snop  }
0x90: {  	(tm) =	ssettm $0x1  }
0x91: {  	s17 =	sld [smem:$0x3FFB];
	_ =	sdelay $0x3  }
0x92: {  	_ =	strace s17  }
0x93: {  	s2 =	sld [smem:$0x3FFC];
	_ =	sdelay $0x3  }
0x94: {  	_ =	strace s2  }
0x95: {  	s2 =	sld [smem:$0x3FFD];
	_ =	sdelay $0x3  }
0x96: {  	_ =	strace s2  }
0x97: {  	_ =	strace $0x8FFFFFFF  }
0x98: {  	s18 =	sld [smem:$0x3FDB];
	_ =	sdelay $0x1  }
0x99: {  	s19 =	simm.s32 $_scs_section_size  }
0x9a: {  	s4 =	simm.s32 $_size__tile_overlayer_lowered;
	s5 =	simm.s32 $_tile_overlayer_lowered  }
0x9b: {  	s22 =	simm.s32 $0x1BFF;
	s21 =	sshll.u32 s5, $0x1;
	s2 =	sadd.s32 s19, s18  }
0x9c: {  	s6 =	simm.s32 $0x0;
	s20 =	sshll.u32 s4, $0x1;
	s4 =	sadd.s32 s21, s2  }
0x9d: {  	[timem:s6], [sflag:s22] =	dma.local [hbm:s4], s20  }
0x9e: {  	_ =	swait.ge [sflag:s22], s20  }
0x9f: {  	s3 =	ssub.s32 $0x0, s20;
	[sflag:s22] =	ssyncset.done $0x0  }
0xa0: {  	[sflag:s22] =	ssyncadd.s32 s3;
	_ =	sdelay $0x1  }
0xa1: {  	s23 =	simm.s32 $0x1B8B  }
0xa2: {  	_ =	swait.ge [sflag:s23], $0x1  }
0xa3: {  	[sflag:s23] =	ssyncset.done $0x0  }
0xa4: {  	s25 =	simm.s32 $0x1B8E;
	s24 =	sld [smem:$0x3FFE];
	[sflag:s23] =	ssyncadd.s32 $0xFFFFFFFF  }
0xa5: {  	s26 =	simm.s32 $execute0_lowered;
	[smem:$0x3FD2] =	sst s25  }
0xa6: {  	s4 =	sshll.u32 s26, $0x1;
	_ =	strace $0x80000049;
	[dreg:$0x1] =	wrdreg $0xFFFFFFFF  }
0xa7: {  	s28 =	simm.s32 $_size_execute0_lowered;
	s2 =	sadd.s32 s2, s4;
	[dreg:$0x0] =	wrdreg $0x0  }
0xa8: {  	s4 =	sshll.u32 s28, $0x1;
	[dreg:$0x2] =	wrdreg s2  }
0xa9: {  	[dreg:$0x3] =	wrdreg s4  }
0xaa: {  	[dreg:$0x4] =	wrdreg $0xC0  }
0xab: {  	_ =	task [dreg:s6], $0x5FFFF  }
0xac: {  	[dreg:$0x1] =	wrdreg $0xFFFFFFFF  }
0xad: {  	[dreg:$0x0] =	wrdreg $0x60  }
0xae: {  	[dreg:$0x2] =	wrdreg s24  }
0xaf: {  	[dreg:$0x3] =	wrdreg $0xB  }
0xb0: {  	_ =	task.clear_ibuf [dreg:s6], $0x4FFFF;
	_ =	strace $0x90000049  }
0xb1: {  	s29 =	simm.s32 $0xB;
	_ =	strace $0x8000004B  }
0xb2: {  	_ =	swait.ge [sflag:s29], $0x1  }
0xb3: {  	[sflag:s29] =	ssyncadd.s32 $0xFFFFFFFF  }
0xb4: {  	_ =	strace $0x9000004B  }
0xb5: {  	_ =	sfence  }
0xb6: {  	s30 =	sld [smem:$0x0];
	_ =	sdelay $0x2  }
0xb7: {  	s31 =	sshll.u32 s1, $0xD;
	s1 =	sshrl.u32 s1, $0x2  }
0xb8: {  	s3 =	sand.u32 $0x4000, s31;
	s1 =	sadd.s32 s1, s30  }
0xb9: {  	s0 =	sor.u32 s3, s0;
	s1 =	sshll.u32 s1, $0x11  }
0xba: {  	s0 =	sor.u32 s1, s0  }
0xbb: {  	s0 =	sadd.s32 $0x8F2B, s0  }
0xbc: {  	[sflag:s0] =	ssyncadd.remote.s32 $0x1  }
0xbd: {  	_ =	sfence.sel $0xFFFF  }
0xbe: {  	[dreg:$0x0] =	wrdreg $0xFFFFFFFF;
	(pc) =	sbr.abs _section_cstart, $3  }
0xbf: {  	[dreg:$0x1] =	wrdreg $0xFFFFFFFF  }
0xc0: {  	_ =	task.clear_ibuf [dreg:s6], $0x2FFFF;
	_ =	strace $0x9FFFFFFF  }
0xc1: {  	(tm) =	ssettm $0x7FFFFFFF  }
tec
execute0_lowered:
.L_overlay_start_1:
0x0: {  	(tag) =	ssettag $0x1  }
0x1: {  	s1 =	srdreg.scid  }
0x2: {  	s0 =	stileid.u32;
	s5 =	rddreg [dreg:$0x0];
	s2 =	simm.s32 $0x0  }
0x3: {  	s10 =	simm.s32 $0x880;
	s11 =	simm.s32 $0x1080;
	s12 =	simm.s32 $0x1880  }
0x4: {  	s13 =	simm.s32 $0x2080;
	s14 =	simm.s32 $0x2880;
	s15 =	simm.s32 $0x3080  }
0x5: {  	s16 =	simm.s32 $0x3880;
	s17 =	simm.s32 $0x4080;
	s18 =	simm.s32 $0x4880  }
0x6: {  	s19 =	simm.s32 $0x5080;
	s3 =	sand.u32 $0x1, s1;
	s4 =	sshll.u32 s0, $0x1  }
0x7: {  	s20 =	simm.s32 $0x5880;
	s21 =	simm.s32 $0x1;
	s4 =	sor.u32 s3, s4  }
0x8: {  	s1 =	rddreg [dreg:$0x1];
	s7 =	ssub.s32 $0x2, s3;
	s6 =	smul.u32 $0x30, s4  }
0x9: {  	[smem:$0x7FF] =	sst s2;
	s4 =	smul.u32 $0xC00, s4;
	s8 =	sshrl.u32 s7, $0x1  }
0xa: {  	_ =	strace $0x8000004A;
	s3 =	sadd.s32 $0x4000, s5;
	s7 =	ssub.s32 s7, s8  }
0xb: {  	v2 =	vlaneseq.u32;
	s8 =	simm.s32 $0x2;
	s6 =	sshrl.u32 s6, $0x3;
	s9 =	sadd.s32 s4, s5  }
0xc: {  	vm0 =	vmmov $0xffff;
	v1 =	vshrl.u32 v2, $0x3;
	s7 =	smax.u32 s7, $0x1;
	s31 =	sadd.s32 s5, s6;
	s5 =	sadd.s32 $0x4100, s5  }
0xd: {  	v0 =	vand.u32 $0x7, v2;
	v2 =	vor.u32 $0x8, v2;
	v1 =	vmul.u32 $0x8, v1;
	s6 =	sadd.s32 $0x44000, s9;
	s9 =	simm.s32 $0x80;
	s4 =	sadd.s32 $0x3D80, s31  }
.LBB2_1:
0xe: {  	[tilespmem:s2], [sflag:$0x2] =	stream.linear.gather [hbm4b:s4+s2], $0x30, $0x38;
	[tilespmem:$0x6080] =	vst v63  }
0xf: {  	_ =	swait.ge [sflag:s8], $0x30  }
0x10: {  	[sflag:s8] =	ssyncset.done $0x0  }
0x11: {  	[sflag:s8] =	ssyncadd.s32 $0xFFFFFFD0  }
0x12: {  	v3 =	vld [tilespmem:$0x0];
	_ =	sdelay $0x4  }
0x13: {  	v4 =	vshll.u32 v3, $0x2  }
0x14: {  	v3 =	vand.u32 $0x7, v3;
	v4 =	vand.u32 $0xFFFFFFE0, v4  }
0x15: {  	v3 =	vor.u32 v3, v4  }
0x16: {  	v4 =	vperm.xlane v3, v0;
	_ =	sdelay $0x1  }
0x17: {  	v4 =	vadd.s32 v1, v4;
	_ =	sdelay $0x1  }
0x18: {  	v3 =	vperm.xlane v3, v2;
	_ =	sdelay $0x1  }
0x19: {  	v3 =	vadd.s32 v1, v3  }
0x1a: {  	[tilespmem:s9], [sflag:$0x1] =	stream.indirect_vreg.gather [hbm4b:s3+s2], $0x80, v4, vm0, $0xb8;
	[tilespmem:$0x6080] =	vst v63  }
0x1b: {  	_ = 	snop  }
0x1c: {  	[tilespmem:s10], [sflag:$0x1] =	stream.indirect_vreg.gather [hbm4b:s5+s2], $0x80, v4, vm0, $0xb8;
	[tilespmem:$0x6080] =	vst v63  }
0x1d: {  	_ = 	snop  }
0x1e: {  	[tilespmem:s11], [sflag:$0x1] =	stream.indirect_vreg.gather [hbm4b:s3+s2], $0x80, v3, vm0, $0xb8;
	[tilespmem:$0x6080] =	vst v63  }
0x1f: {  	_ = 	snop  }
0x20: {  	[tilespmem:s12], [sflag:$0x1] =	stream.indirect_vreg.gather [hbm4b:s5+s2], $0x80, v3, vm0, $0xb8;
	[tilespmem:$0x6080] =	vst v63  }
0x21: {  	v3 =	vld [tilespmem:$0x10];
	_ =	sdelay $0x4  }
0x22: {  	v62 =	vshll.u32 v3, $0x2  }
0x23: {  	v3 =	vand.u32 $0x7, v3;
	v4 =	vand.u32 $0xFFFFFFE0, v62  }
0x24: {  	v3 =	vor.u32 v3, v4  }
0x25: {  	v4 =	vperm.xlane v3, v0;
	_ =	sdelay $0x1  }
0x26: {  	v4 =	vadd.s32 v1, v4;
	_ =	sdelay $0x1  }
0x27: {  	v3 =	vperm.xlane v3, v2;
	_ =	sdelay $0x1  }
0x28: {  	v3 =	vadd.s32 v1, v3  }
0x29: {  	[tilespmem:s13], [sflag:$0x1] =	stream.indirect_vreg.gather [hbm4b:s3+s2], $0x80, v4, vm0, $0xb8;
	[tilespmem:$0x6080] =	vst v63  }
0x2a: {  	_ = 	snop  }
0x2b: {  	[tilespmem:s14], [sflag:$0x1] =	stream.indirect_vreg.gather [hbm4b:s5+s2], $0x80, v4, vm0, $0xb8;
	[tilespmem:$0x6080] =	vst v63  }
0x2c: {  	_ = 	snop  }
0x2d: {  	[tilespmem:s15], [sflag:$0x1] =	stream.indirect_vreg.gather [hbm4b:s3+s2], $0x80, v3, vm0, $0xb8;
	[tilespmem:$0x6080] =	vst v63  }
0x2e: {  	_ = 	snop  }
0x2f: {  	[tilespmem:s16], [sflag:$0x1] =	stream.indirect_vreg.gather [hbm4b:s5+s2], $0x80, v3, vm0, $0xb8;
	[tilespmem:$0x6080] =	vst v63  }
0x30: {  	v3 =	vld [tilespmem:$0x20];
	_ =	sdelay $0x4  }
0x31: {  	v63 =	vshll.u32 v3, $0x2  }
0x32: {  	v3 =	vand.u32 $0x7, v3;
	v4 =	vand.u32 $0xFFFFFFE0, v63  }
0x33: {  	v3 =	vor.u32 v3, v4  }
0x34: {  	v4 =	vperm.xlane v3, v0;
	_ =	sdelay $0x1  }
0x35: {  	v4 =	vadd.s32 v1, v4;
	_ =	sdelay $0x1  }
0x36: {  	v3 =	vperm.xlane v3, v2;
	_ =	sdelay $0x1  }
0x37: {  	v3 =	vadd.s32 v1, v3  }
0x38: {  	[tilespmem:s17], [sflag:$0x1] =	stream.indirect_vreg.gather [hbm4b:s3+s2], $0x80, v4, vm0, $0xb8;
	[tilespmem:$0x6080] =	vst v63  }
0x39: {  	_ = 	snop  }
0x3a: {  	[tilespmem:s18], [sflag:$0x1] =	stream.indirect_vreg.gather [hbm4b:s5+s2], $0x80, v4, vm0, $0xb8;
	[tilespmem:$0x6080] =	vst v63  }
0x3b: {  	_ = 	snop  }
0x3c: {  	[tilespmem:s19], [sflag:$0x1] =	stream.indirect_vreg.gather [hbm4b:s3+s2], $0x80, v3, vm0, $0xb8;
	[tilespmem:$0x6080] =	vst v63  }
0x3d: {  	_ = 	snop  }
0x3e: {  	[tilespmem:s20], [sflag:$0x1] =	stream.indirect_vreg.gather [hbm4b:s5+s2], $0x80, v3, vm0, $0xb8;
	[tilespmem:$0x6080] =	vst v63  }
0x3f: {  	_ =	swait.ge [sflag:s21], $0x6000  }
0x40: {  	p0 =	sne.s32 s7, $0x1;
	[sflag:s21] =	ssyncset.done $0x0  }
.Ltmp0:
0x41: {  	[sflag:s21] =	ssyncadd.s32 $0xFFFFA000;
	(pc) =	sbr.rel @p0 .LBB2_1-.Ltmp0, $4  }
0x42: {  	[hbm4b:s6+s2] =	stream.linear.scatter [tilespmem:s9], [sflag:$0x2], $0x6000, $0x38;
	[tilespmem:$0x6080] =	vst v63  }
0x43: {  	_ =	swait.ge [sflag:s8], $0x6000  }
0x44: {  	[sflag:s8] =	ssyncset.done $0x0  }
0x45: {  	s7 =	sadd.s32 $0xFFFFFFFF, s7;
	[sflag:s8] =	ssyncadd.s32 $0xFFFFA000  }
0x46: {  	_ =	sfence.sel $0x180000  }
0x47: {  	[bflag:$0x0] =	sbarrier.arrive $0xFFFF  }
0x48: {  	p0 =	sne.s32 s0, $0x0;
	_ =	strace $0x9000004A  }
0x49: {  	s0 =	sadd.s32 @!p0 $0x100000, s1;
	[bflag:$0x2] =	sbarrier.arrive $0xFFFF  }
0x4a: {  	[sflag:s0] =	ssyncadd.tile.s32 @!p0 $0x1;
	_ =	shalt  }
.Lfunc_end2:
_tile_overlayer_lowered:
.L_overlay_start_2:
0x4b: {  	(tag) =	ssettag $0x2  }
0x4c: {  	s0 =	rddreg [dreg:$0x0];
	s2 =	stileid.u32  }
0x4d: {  	s1 =	rddreg [dreg:$0x1];
	p0 =	sne.s32 s2, $0x0  }
0x4e: {  	s3 =	rddreg [dreg:$0x2];
	[bflag:$0x3] =	sbarrier.arrive $0xFFFF;
	s2 =	simm.s32 @!p0 $0x1C02  }
0x4f: {  	[timem:s3], [sflag:s2] =	dma.local @!p0 [hbm:s0], s1  }
0x50: {  	s0 =	simm.s32 @!p0 $0x2  }
0x51: {  	_ =	swait.ge @!p0 [sflag:s0], s1  }
0x52: {  	s1 =	ssub.s32 @!p0 $0x0, s1;
	[sflag:s0] =	ssyncset.done @!p0 $0x0  }
0x53: {  	[sflag:s0] =	ssyncadd.s32 @!p0 s1  }
0x54: {  	[bflag:$0x3] =	sbarrier.arrive $0xFFFF  }
0x55: {  	_ =	shalt  }

</sc_bundles>
